<compile_context>
chip_gen: v7x
topology: tpu7x:2x2x1
jax: 0.10.2.dev20260603
libtpu: 0.0.44.dev20260713+nightly
codegen_flags: <defaults>
</compile_context>

<pallas_src>
import functools

import jax
import jax.numpy as jnp
from jax import lax
from jax.experimental import pallas as pl
from jax.experimental.pallas import tpu as pltpu
from jax.experimental.pallas import tpu_sc as plsc

N = 10000
D = 128
E = 320000
EPS = 1e-5

NC = 2
NS = 16
NW = NC * NS
K = 64
EW = E // NW
NB = 160
EWP = NB * K
BLK = 16
NBLK = NB // BLK
R = 5
GD = 4
NPAD = 10112
RPT = NPAD // NS

_mesh = plsc.VectorSubcoreMesh(core_axis_name="c", subcore_axis_name="s")


def _deg_body(dst_hbm, out_hbm, dst_v, hist_v):
    c = lax.axis_index("c")
    s = lax.axis_index("s")
    wid = s * NC + c
    pltpu.sync_copy(dst_hbm.at[wid], dst_v)

    def _zero(i, carry):
        hist_v[pl.ds(i * 16, 16)] = jnp.zeros((16,), jnp.float32)
        return carry

    lax.fori_loop(0, NPAD // 16, _zero, 0, unroll=4)

    ones = jnp.ones((16,), jnp.float32)

    def _hist(i, carry):
        j = i // (K // 16)
        t = i % (K // 16)
        idx = dst_v[j, pl.ds(t * 16, 16)]
        plsc.addupdate_scatter(hist_v, [idx], ones)
        return carry

    lax.fori_loop(0, NB * (K // 16), _hist, 0, unroll=4)
    pltpu.sync_copy(hist_v, out_hbm.at[wid])


_deg_hist = functools.partial(
    pl.kernel,
    out_type=jax.ShapeDtypeStruct((NW, NPAD), jnp.float32),
    mesh=_mesh,
    scratch_types=[
        pltpu.VMEM((NB, K), jnp.int32),
        pltpu.VMEM((NPAD,), jnp.float32),
    ],
    compiler_params=pltpu.CompilerParams(needs_layout_passes=False),
)(_deg_body)


def _agg_body(g_hbm, src_hbm, dst_hbm, z_hbm, out_hbm, src_v, dst_v, rows_v,
              acc_sh, gsem, ssem, isem, zsem):
    c = lax.axis_index("c")
    s = lax.axis_index("s")
    wid = s * NC + c
    pltpu.async_copy(z_hbm.at[pl.ds(s * RPT, RPT)],
                     acc_sh.at[pl.ds(s * RPT, RPT)], zsem)
    pltpu.sync_copy(src_hbm.at[wid, pl.ds(0, BLK)], src_v.at[0])
    pltpu.sync_copy(dst_hbm.at[wid, pl.ds(0, BLK)], dst_v.at[0])

    for q in range(GD):
        pltpu.async_copy(g_hbm.at[src_v.at[0, q]], rows_v.at[q], gsem.at[q])
    pltpu.make_async_copy(z_hbm.at[pl.ds(s * RPT, RPT)],
                          acc_sh.at[pl.ds(s * RPT, RPT)], zsem).wait()
    plsc.subcore_barrier()

    def _blk(b, carry):
        pb = lax.rem(b, 2)

        @pl.when(b + 1 < NBLK)
        def _prefetch_idx():
            pltpu.async_copy(src_hbm.at[wid, pl.ds((b + 1) * BLK, BLK)],
                             src_v.at[1 - pb], isem)
            pltpu.async_copy(dst_hbm.at[wid, pl.ds((b + 1) * BLK, BLK)],
                             dst_v.at[1 - pb], isem)

        def _edge(t, carry2):
            j = b * BLK + t
            p = lax.rem(j, R)
            tt = t + GD

            @pl.when(j >= 1)
            def _drain_prev_scatter():
                pltpu.make_async_copy(rows_v.at[lax.rem(j - 1, R)],
                                      acc_sh.at[dst_v.at[pb, t]],
                                      ssem.at[lax.rem(j - 1, R)]).wait()

            @pl.when(jnp.logical_and(tt == BLK, b + 1 < NBLK))
            def _wait_idx():
                pltpu.make_async_copy(
                    src_hbm.at[wid, pl.ds((b + 1) * BLK, BLK)],
                    src_v.at[1 - pb], isem).wait()
                pltpu.make_async_copy(
                    dst_hbm.at[wid, pl.ds((b + 1) * BLK, BLK)],
                    dst_v.at[1 - pb], isem).wait()

            pq = lax.rem(j + GD, R)

            @pl.when(tt < BLK)
            def _prefetch_same_blk():
                pltpu.async_copy(g_hbm.at[src_v.at[pb, tt]],
                                 rows_v.at[pq], gsem.at[pq])

            @pl.when(jnp.logical_and(tt >= BLK, b + 1 < NBLK))
            def _prefetch_next_blk():
                pltpu.async_copy(g_hbm.at[src_v.at[1 - pb, tt - BLK]],
                                 rows_v.at[pq], gsem.at[pq])

            pltpu.make_async_copy(g_hbm.at[src_v.at[pb, t]], rows_v.at[p],
                                  gsem.at[p]).wait()
            pltpu.async_copy(rows_v.at[p], acc_sh.at[dst_v.at[pb, t]],
                             ssem.at[p], add=True)

            return carry2

        lax.fori_loop(0, BLK, _edge, carry)
        return carry

    lax.fori_loop(0, NBLK, _blk, 0)
    pltpu.make_async_copy(rows_v.at[(NB - 1) % R],
                          acc_sh.at[dst_v.at[(NBLK - 1) % 2, BLK - 1]],
                          ssem.at[(NB - 1) % R]).wait()
    plsc.subcore_barrier()
    pltpu.sync_copy(acc_sh.at[pl.ds(s * RPT, RPT)],
                    out_hbm.at[c, pl.ds(s * RPT, RPT)])


_edge_agg = functools.partial(
    pl.kernel,
    out_type=jax.ShapeDtypeStruct((NC, NPAD, D), jnp.float32),
    mesh=_mesh,
    scratch_types=[
        pltpu.VMEM((2, BLK, K), jnp.int32),
        pltpu.VMEM((2, BLK, K), jnp.int32),
        pltpu.VMEM((R, K, D), jnp.float32),
        pltpu.VMEM_SHARED((NPAD, D), jnp.float32),
        pltpu.SemaphoreType.DMA((R,)),
        pltpu.SemaphoreType.DMA((R,)),
        pltpu.SemaphoreType.DMA,
        pltpu.SemaphoreType.DMA,
    ],
)(_agg_body)


def _tc1_body(hist_ref, x_ref, w_ref, g_ref, dis_ref):
    deg = jnp.sum(hist_ref[...], axis=0) + 1.0
    dis = lax.rsqrt(deg)[:, None]
    h = jnp.dot(x_ref[...], w_ref[...], preferred_element_type=jnp.float32)
    g_ref[...] = h * dis[:N]
    dis_ref[...] = dis


_tc1 = pl.pallas_call(
    _tc1_body,
    out_shape=[
        jax.ShapeDtypeStruct((N, D), jnp.float32),
        jax.ShapeDtypeStruct((NPAD, 1), jnp.float32),
    ],
)


def _tc2_body(acc_ref, g_ref, dis_ref, w_ref, gamma_ref, beta_ref, g2_ref):
    dis = dis_ref[...][:N]
    pre = (acc_ref[0, :N, :] + acc_ref[1, :N, :] + g_ref[...]) * dis
    mu = jnp.mean(pre, axis=0)
    var = jnp.mean((pre - mu) ** 2, axis=0)
    y = (pre - mu) * lax.rsqrt(var + EPS) * gamma_ref[...] + beta_ref[...]
    y = jnp.maximum(y, 0.0)
    g2_ref[...] = jnp.dot(y, w_ref[...],
                          preferred_element_type=jnp.float32) * dis


_tc2 = pl.pallas_call(
    _tc2_body,
    out_shape=jax.ShapeDtypeStruct((N, D), jnp.float32),
)


def _tc3_body(acc_ref, g_ref, dis_ref, gamma_ref, beta_ref, out_ref):
    dis = dis_ref[...][:N]
    pre = (acc_ref[0, :N, :] + acc_ref[1, :N, :] + g_ref[...]) * dis
    mu = jnp.mean(pre, axis=0)
    var = jnp.mean((pre - mu) ** 2, axis=0)
    out_ref[...] = (pre - mu) * lax.rsqrt(var + EPS) * gamma_ref[...] \
        + beta_ref[...]


_tc3 = pl.pallas_call(
    _tc3_body,
    out_shape=jax.ShapeDtypeStruct((N, D), jnp.float32),
)


def kernel(x, edge_index, W1, b1, gamma1, beta1, W2, b2, gamma2, beta2):
    src = edge_index[0]
    dst = edge_index[1]
    npad = EWP - EW
    pad_lane = (jnp.arange(npad, dtype=jnp.int32) % (NPAD - N))
    src_p = jnp.concatenate(
        [src.reshape(NW, EW), jnp.broadcast_to(pad_lane, (NW, npad))],
        axis=1).reshape(NW, NB, K)
    dst_p = jnp.concatenate(
        [dst.reshape(NW, EW), jnp.broadcast_to(N + pad_lane, (NW, npad))],
        axis=1).reshape(NW, NB, K)
    zeros = jnp.zeros((NPAD, D), jnp.float32)

    hist = _deg_hist(dst_p)
    g1, dis = _tc1(hist, x, W1)
    acc1 = _edge_agg(g1, src_p, dst_p, zeros)
    g2 = _tc2(acc1, g1, dis, W2, gamma1, beta1)
    acc2 = _edge_agg(g2, src_p, dst_p, zeros)
    out = _tc3(acc2, g2, dis, gamma2, beta2)
    return out

# --- scband reference (transcript-rebuilt; emitter-appended) ---
"""Pipeline reference for scband-un-di-gcn-63273458205065 (READ-ONLY COPY).

The authoritative reference and input builder live on the scoring server;
editing this copy changes nothing except your own understanding.
"""

import jax, jax.numpy as jnp
import numpy as np

N = 10000
D = 128
E = 320000
EPS = 1e-5


def setup_inputs(seed: int = 0) -> dict:
    key = jax.random.key(seed)
    ks = jax.random.split(key, 12)
    x = jax.random.normal(ks[0], (N, D), dtype=jnp.float32)
    edge_index = jax.random.randint(ks[1], (2, E), 0, N, dtype=jnp.int32)
    scale = 1.0 / np.sqrt(D)
    W1 = jax.random.normal(ks[2], (D, D), dtype=jnp.float32) * scale
    b1 = jnp.zeros((D,), dtype=jnp.float32)
    W2 = jax.random.normal(ks[3], (D, D), dtype=jnp.float32) * scale
    b2 = jnp.zeros((D,), dtype=jnp.float32)
    gamma1 = jnp.ones((D,), dtype=jnp.float32)
    beta1 = jnp.zeros((D,), dtype=jnp.float32)
    gamma2 = jnp.ones((D,), dtype=jnp.float32)
    beta2 = jnp.zeros((D,), dtype=jnp.float32)
    return {"x": x, "edge_index": edge_index, "W1": W1, "b1": b1,
            "gamma1": gamma1, "beta1": beta1, "W2": W2, "b2": b2,
            "gamma2": gamma2, "beta2": beta2}


def _gcn_conv(x, edge_index, W, b):
    # GCNConv: add self loops, symmetric normalization D^-1/2 (A+I) D^-1/2 X W + b
    src = edge_index[0]
    dst = edge_index[1]
    loop = jnp.arange(N, dtype=src.dtype)
    s = jnp.concatenate([src, loop])
    d = jnp.concatenate([dst, loop])
    deg = jnp.zeros((N,), dtype=x.dtype).at[d].add(1.0)
    dis = jax.lax.rsqrt(deg)
    norm = dis[s] * dis[d]
    h = x @ W
    msg = h[s] * norm[:, None]
    out = jnp.zeros((N, W.shape[1]), dtype=x.dtype).at[d].add(msg)
    return out + b


def _bn(x, gamma, beta):
    # BatchNorm1d in training mode: batch statistics over node dimension
    mu = jnp.mean(x, axis=0)
    var = jnp.var(x, axis=0)
    return (x - mu) * jax.lax.rsqrt(var + EPS) * gamma + beta


def reference(x, edge_index, W1, b1, gamma1, beta1, W2, b2, gamma2, beta2):
    h = _gcn_conv(x, edge_index, W1, b1)
    h = _bn(h, gamma1, beta1)
    h = jax.nn.relu(h)
    h = _gcn_conv(h, edge_index, W2, b2)
    h = _bn(h, gamma2, beta2)
    return h

if __name__ == "__main__":
    import jax
    _d = setup_inputs()
    print(jax.jit(kernel)(*tuple(_d.values())))

</pallas_src>

<mosaic_0001>
#map = affine_map<(d0, d1) -> (0, 0)>
#map1 = affine_map<(d0, d1) -> (0, 0, 0)>
module attributes {stable_mosaic.version = 14 : i64} {
  func.func @_agg_body(%arg0: i32, %arg1: i32, %arg2: memref<10000x128xf32, #tpu.memory_space<hbm>>, %arg3: memref<32x160x64xi32, #tpu.memory_space<hbm>>, %arg4: memref<32x160x64xi32, #tpu.memory_space<hbm>>, %arg5: memref<10112x128xf32, #tpu.memory_space<hbm>>, %arg6: memref<2x10112x128xf32, #tpu.memory_space<hbm>>, %arg7: memref<2x16x64xi32, #tpu.memory_space<vmem>>, %arg8: memref<2x16x64xi32, #tpu.memory_space<vmem>>, %arg9: memref<5x64x128xf32, #tpu.memory_space<vmem>>, %arg10: memref<10112x128xf32, #tpu.memory_space<vmem_shared>>, %arg11: memref<5x!tpu.dma_semaphore, #tpu.memory_space<semaphore_mem>>, %arg12: memref<5x!tpu.dma_semaphore, #tpu.memory_space<semaphore_mem>>, %arg13: memref<!tpu.dma_semaphore, #tpu.memory_space<semaphore_mem>>, %arg14: memref<!tpu.dma_semaphore, #tpu.memory_space<semaphore_mem>>) attributes {dimension_semantics = [#tpu.dimension_semantics<core_parallel>, #tpu.dimension_semantics<subcore_parallel>], iteration_bounds = array<i64: 2, 16>, scalar_prefetch = 0 : i64, scratch_operands = 8 : i64, tpu.core_type = #tpu.core_type<sc_vector_subcore>, window_params = [{transform_indices = #map}, {transform_indices = #map1}, {transform_indices = #map1}, {transform_indices = #map}, {transform_indices = #map1}]} {
    %mul3A = arith.constant 2 : i32
    %mul3A_0 = arith.muli %arg1, %mul3A : i32
    %add3A = arith.addi %mul3A_0, %arg0 : i32
    %mul3A_1 = arith.constant 632 : i32
    %mul3A_2 = arith.muli %arg1, %mul3A_1 : i32
    %mul3A_3 = arith.constant 632 : i32
    %mul3A_4 = arith.muli %arg1, %mul3A_3 : i32
    %dma_start3A = arith.constant 0 : i32
    %dma_start3A_5 = tpu.memref_slice %arg10[%mul3A_4, %dma_start3A] : memref<10112x128xf32, #tpu.memory_space<vmem_shared>> -> memref<632x128xf32, #tpu.memory_space<vmem_shared>>
    %dma_start3A_6 = arith.constant 0 : i32
    %dma_start3A_7 = tpu.memref_slice %arg5[%mul3A_2, %dma_start3A_6] : memref<10112x128xf32, #tpu.memory_space<hbm>> -> memref<632x128xf32, #tpu.memory_space<hbm>>
    tpu.enqueue_dma source(%dma_start3A_7 : memref<632x128xf32, #tpu.memory_space<hbm>>) target(%dma_start3A_5 : memref<632x128xf32, #tpu.memory_space<vmem_shared>>) target_semaphore(%arg14 : memref<!tpu.dma_semaphore, #tpu.memory_space<semaphore_mem>>)
    %run_scoped3A = arith.constant 0 : i32
    "tpu.region"() ({
      %run_scoped3A_106 = tpu.sem_alloc : memref<!tpu.dma_semaphore, #tpu.memory_space<semaphore_mem>>
      %dma_start3A_107 = arith.constant 0 : i32
      %dma_start3A_108 = arith.constant 0 : i32
      %dma_start3A_109 = tpu.memref_slice %arg7[%run_scoped3A, %dma_start3A_107, %dma_start3A_108] : memref<2x16x64xi32, #tpu.memory_space<vmem>> -> memref<1x16x64xi32, #tpu.memory_space<vmem>>
      %dma_start3A_110 = tpu.memref_squeeze %dma_start3A_109 : memref<1x16x64xi32, #tpu.memory_space<vmem>> -> memref<16x64xi32, #tpu.memory_space<vmem>>
      %dma_start3A_111 = arith.constant 0 : i32
      %dma_start3A_112 = arith.constant 0 : i32
      %dma_start3A_113 = tpu.memref_slice %arg3[%add3A, %dma_start3A_111, %dma_start3A_112] : memref<32x160x64xi32, #tpu.memory_space<hbm>> -> memref<1x16x64xi32, #tpu.memory_space<hbm>>
      %dma_start3A_114 = tpu.memref_squeeze %dma_start3A_113 : memref<1x16x64xi32, #tpu.memory_space<hbm>> -> memref<16x64xi32, #tpu.memory_space<hbm>>
      %dma_start3A_115 = arith.constant 0 : i32
      %dma_start3A_116 = arith.constant 0 : i32
      %dma_start3A_117 = tpu.memref_slice %arg7[%run_scoped3A, %dma_start3A_115, %dma_start3A_116] : memref<2x16x64xi32, #tpu.memory_space<vmem>> -> memref<1x16x64xi32, #tpu.memory_space<vmem>>
      %dma_start3A_118 = tpu.memref_squeeze %dma_start3A_117 : memref<1x16x64xi32, #tpu.memory_space<vmem>> -> memref<16x64xi32, #tpu.memory_space<vmem>>
      %dma_start3A_119 = arith.constant 0 : i32
      %dma_start3A_120 = arith.constant 0 : i32
      %dma_start3A_121 = tpu.memref_slice %arg3[%add3A, %dma_start3A_119, %dma_start3A_120] : memref<32x160x64xi32, #tpu.memory_space<hbm>> -> memref<1x16x64xi32, #tpu.memory_space<hbm>>
      %dma_start3A_122 = tpu.memref_squeeze %dma_start3A_121 : memref<1x16x64xi32, #tpu.memory_space<hbm>> -> memref<16x64xi32, #tpu.memory_space<hbm>>
      tpu.enqueue_dma source(%dma_start3A_122 : memref<16x64xi32, #tpu.memory_space<hbm>>) target(%dma_start3A_118 : memref<16x64xi32, #tpu.memory_space<vmem>>) target_semaphore(%run_scoped3A_106 : memref<!tpu.dma_semaphore, #tpu.memory_space<semaphore_mem>>)
      %dma_wait3A_123 = arith.constant 0 : i32
      %dma_wait3A_124 = arith.constant 0 : i32
      %dma_wait3A_125 = tpu.memref_slice %arg7[%run_scoped3A, %dma_wait3A_123, %dma_wait3A_124] : memref<2x16x64xi32, #tpu.memory_space<vmem>> -> memref<1x16x64xi32, #tpu.memory_space<vmem>>
      %dma_wait3A_126 = tpu.memref_squeeze %dma_wait3A_125 : memref<1x16x64xi32, #tpu.memory_space<vmem>> -> memref<16x64xi32, #tpu.memory_space<vmem>>
      %dma_wait3A_127 = arith.constant 0 : i32
      %dma_wait3A_128 = arith.constant 0 : i32
      %dma_wait3A_129 = tpu.memref_slice %arg3[%add3A, %dma_wait3A_127, %dma_wait3A_128] : memref<32x160x64xi32, #tpu.memory_space<hbm>> -> memref<1x16x64xi32, #tpu.memory_space<hbm>>
      %dma_wait3A_130 = tpu.memref_squeeze %dma_wait3A_129 : memref<1x16x64xi32, #tpu.memory_space<hbm>> -> memref<16x64xi32, #tpu.memory_space<hbm>>
      %dma_wait3A_131 = arith.constant 0 : i32
      %dma_wait3A_132 = arith.constant 0 : i32
      %dma_wait3A_133 = tpu.memref_slice %arg7[%run_scoped3A, %dma_wait3A_131, %dma_wait3A_132] : memref<2x16x64xi32, #tpu.memory_space<vmem>> -> memref<1x16x64xi32, #tpu.memory_space<vmem>>
      %dma_wait3A_134 = tpu.memref_squeeze %dma_wait3A_133 : memref<1x16x64xi32, #tpu.memory_space<vmem>> -> memref<16x64xi32, #tpu.memory_space<vmem>>
      %dma_wait3A_135 = arith.constant 0 : i32
      %dma_wait3A_136 = arith.constant 0 : i32
      %dma_wait3A_137 = tpu.memref_slice %arg3[%add3A, %dma_wait3A_135, %dma_wait3A_136] : memref<32x160x64xi32, #tpu.memory_space<hbm>> -> memref<1x16x64xi32, #tpu.memory_space<hbm>>
      %dma_wait3A_138 = tpu.memref_squeeze %dma_wait3A_137 : memref<1x16x64xi32, #tpu.memory_space<hbm>> -> memref<16x64xi32, #tpu.memory_space<hbm>>
      tpu.wait_dma2 semaphore(%run_scoped3A_106 : memref<!tpu.dma_semaphore, #tpu.memory_space<semaphore_mem>>) src(%dma_wait3A_138 : memref<16x64xi32, #tpu.memory_space<hbm>>) dst(%dma_wait3A_134 : memref<16x64xi32, #tpu.memory_space<vmem>>)
      tpu.yield
    }) : () -> ()
    %run_scoped3A_8 = arith.constant 0 : i32
    "tpu.region"() ({
      %run_scoped3A_106 = tpu.sem_alloc : memref<!tpu.dma_semaphore, #tpu.memory_space<semaphore_mem>>
      %dma_start3A_107 = arith.constant 0 : i32
      %dma_start3A_108 = arith.constant 0 : i32
      %dma_start3A_109 = tpu.memref_slice %arg8[%run_scoped3A_8, %dma_start3A_107, %dma_start3A_108] : memref<2x16x64xi32, #tpu.memory_space<vmem>> -> memref<1x16x64xi32, #tpu.memory_space<vmem>>
      %dma_start3A_110 = tpu.memref_squeeze %dma_start3A_109 : memref<1x16x64xi32, #tpu.memory_space<vmem>> -> memref<16x64xi32, #tpu.memory_space<vmem>>
      %dma_start3A_111 = arith.constant 0 : i32
      %dma_start3A_112 = arith.constant 0 : i32
      %dma_start3A_113 = tpu.memref_slice %arg4[%add3A, %dma_start3A_111, %dma_start3A_112] : memref<32x160x64xi32, #tpu.memory_space<hbm>> -> memref<1x16x64xi32, #tpu.memory_space<hbm>>
      %dma_start3A_114 = tpu.memref_squeeze %dma_start3A_113 : memref<1x16x64xi32, #tpu.memory_space<hbm>> -> memref<16x64xi32, #tpu.memory_space<hbm>>
      %dma_start3A_115 = arith.constant 0 : i32
      %dma_start3A_116 = arith.constant 0 : i32
      %dma_start3A_117 = tpu.memref_slice %arg8[%run_scoped3A_8, %dma_start3A_115, %dma_start3A_116] : memref<2x16x64xi32, #tpu.memory_space<vmem>> -> memref<1x16x64xi32, #tpu.memory_space<vmem>>
      %dma_start3A_118 = tpu.memref_squeeze %dma_start3A_117 : memref<1x16x64xi32, #tpu.memory_space<vmem>> -> memref<16x64xi32, #tpu.memory_space<vmem>>
      %dma_start3A_119 = arith.constant 0 : i32
      %dma_start3A_120 = arith.constant 0 : i32
      %dma_start3A_121 = tpu.memref_slice %arg4[%add3A, %dma_start3A_119, %dma_start3A_120] : memref<32x160x64xi32, #tpu.memory_space<hbm>> -> memref<1x16x64xi32, #tpu.memory_space<hbm>>
      %dma_start3A_122 = tpu.memref_squeeze %dma_start3A_121 : memref<1x16x64xi32, #tpu.memory_space<hbm>> -> memref<16x64xi32, #tpu.memory_space<hbm>>
      tpu.enqueue_dma source(%dma_start3A_122 : memref<16x64xi32, #tpu.memory_space<hbm>>) target(%dma_start3A_118 : memref<16x64xi32, #tpu.memory_space<vmem>>) target_semaphore(%run_scoped3A_106 : memref<!tpu.dma_semaphore, #tpu.memory_space<semaphore_mem>>)
      %dma_wait3A_123 = arith.constant 0 : i32
      %dma_wait3A_124 = arith.constant 0 : i32
      %dma_wait3A_125 = tpu.memref_slice %arg8[%run_scoped3A_8, %dma_wait3A_123, %dma_wait3A_124] : memref<2x16x64xi32, #tpu.memory_space<vmem>> -> memref<1x16x64xi32, #tpu.memory_space<vmem>>
      %dma_wait3A_126 = tpu.memref_squeeze %dma_wait3A_125 : memref<1x16x64xi32, #tpu.memory_space<vmem>> -> memref<16x64xi32, #tpu.memory_space<vmem>>
      %dma_wait3A_127 = arith.constant 0 : i32
      %dma_wait3A_128 = arith.constant 0 : i32
      %dma_wait3A_129 = tpu.memref_slice %arg4[%add3A, %dma_wait3A_127, %dma_wait3A_128] : memref<32x160x64xi32, #tpu.memory_space<hbm>> -> memref<1x16x64xi32, #tpu.memory_space<hbm>>
      %dma_wait3A_130 = tpu.memref_squeeze %dma_wait3A_129 : memref<1x16x64xi32, #tpu.memory_space<hbm>> -> memref<16x64xi32, #tpu.memory_space<hbm>>
      %dma_wait3A_131 = arith.constant 0 : i32
      %dma_wait3A_132 = arith.constant 0 : i32
      %dma_wait3A_133 = tpu.memref_slice %arg8[%run_scoped3A_8, %dma_wait3A_131, %dma_wait3A_132] : memref<2x16x64xi32, #tpu.memory_space<vmem>> -> memref<1x16x64xi32, #tpu.memory_space<vmem>>
      %dma_wait3A_134 = tpu.memref_squeeze %dma_wait3A_133 : memref<1x16x64xi32, #tpu.memory_space<vmem>> -> memref<16x64xi32, #tpu.memory_space<vmem>>
      %dma_wait3A_135 = arith.constant 0 : i32
      %dma_wait3A_136 = arith.constant 0 : i32
      %dma_wait3A_137 = tpu.memref_slice %arg4[%add3A, %dma_wait3A_135, %dma_wait3A_136] : memref<32x160x64xi32, #tpu.memory_space<hbm>> -> memref<1x16x64xi32, #tpu.memory_space<hbm>>
      %dma_wait3A_138 = tpu.memref_squeeze %dma_wait3A_137 : memref<1x16x64xi32, #tpu.memory_space<hbm>> -> memref<16x64xi32, #tpu.memory_space<hbm>>
      tpu.wait_dma2 semaphore(%run_scoped3A_106 : memref<!tpu.dma_semaphore, #tpu.memory_space<semaphore_mem>>) src(%dma_wait3A_138 : memref<16x64xi32, #tpu.memory_space<hbm>>) dst(%dma_wait3A_134 : memref<16x64xi32, #tpu.memory_space<vmem>>)
      tpu.yield
    }) : () -> ()
    %dma_start3A_9 = arith.constant 0 : i32
    %dma_start3A_10 = arith.constant 0 : i32
    %dma_start3A_11 = arith.constant 0 : i32
    %dma_start3A_12 = arith.constant 0 : i32
    %dma_start3A_13 = arith.constant 0 : i32
    %dma_start3A_14 = arith.constant 0 : i32
    %dma_start3A_15 = tpu.memref_slice %arg9[%dma_start3A_11, %dma_start3A_13, %dma_start3A_14] : memref<5x64x128xf32, #tpu.memory_space<vmem>> -> memref<1x64x128xf32, #tpu.memory_space<vmem>>
    %dma_start3A_16 = tpu.memref_squeeze %dma_start3A_15 : memref<1x64x128xf32, #tpu.memory_space<vmem>> -> memref<64x128xf32, #tpu.memory_space<vmem>>
    %dma_start3A_17 = arith.constant 0 : i32
    %dma_start3A_18 = tpu.memref_slice %arg7[%dma_start3A_9, %dma_start3A_10, %dma_start3A_17] : memref<2x16x64xi32, #tpu.memory_space<vmem>> -> memref<1x1x64xi32, #tpu.memory_space<vmem>>
    %dma_start3A_19 = tpu.memref_squeeze %dma_start3A_18 : memref<1x1x64xi32, #tpu.memory_space<vmem>> -> memref<64xi32, #tpu.memory_space<vmem>>
    %dma_start3A_20 = arith.constant 0 : i32
    %dma_start3A_21 = arith.constant 0 : i32
    %dma_start3A_22 = tpu.memref_slice %arg2[%dma_start3A_20, %dma_start3A_21] : memref<10000x128xf32, #tpu.memory_space<hbm>> -> memref<10000x128xf32, #tpu.memory_space<hbm>>
    %dma_start3A_23 = tpu.memref_slice %arg11[%dma_start3A_12] : memref<5x!tpu.dma_semaphore, #tpu.memory_space<semaphore_mem>> -> memref<1x!tpu.dma_semaphore, #tpu.memory_space<semaphore_mem>>
    %dma_start3A_24 = tpu.memref_squeeze %dma_start3A_23 : memref<1x!tpu.dma_semaphore, #tpu.memory_space<semaphore_mem>> -> memref<!tpu.dma_semaphore, #tpu.memory_space<semaphore_mem>>
    tpu.enqueue_indirect_dma source(%dma_start3A_22 : memref<10000x128xf32, #tpu.memory_space<hbm>>) target(%dma_start3A_16 : memref<64x128xf32, #tpu.memory_space<vmem>>) offsets(%dma_start3A_19 : memref<64xi32, #tpu.memory_space<vmem>>) semaphore(%dma_start3A_24 : memref<!tpu.dma_semaphore, #tpu.memory_space<semaphore_mem>>)
    %dma_start3A_25 = arith.constant 0 : i32
    %dma_start3A_26 = arith.constant 1 : i32
    %dma_start3A_27 = arith.constant 1 : i32
    %dma_start3A_28 = arith.constant 1 : i32
    %dma_start3A_29 = arith.constant 0 : i32
    %dma_start3A_30 = arith.constant 0 : i32
    %dma_start3A_31 = tpu.memref_slice %arg9[%dma_start3A_27, %dma_start3A_29, %dma_start3A_30] : memref<5x64x128xf32, #tpu.memory_space<vmem>> -> memref<1x64x128xf32, #tpu.memory_space<vmem>>
    %dma_start3A_32 = tpu.memref_squeeze %dma_start3A_31 : memref<1x64x128xf32, #tpu.memory_space<vmem>> -> memref<64x128xf32, #tpu.memory_space<vmem>>
    %dma_start3A_33 = arith.constant 0 : i32
    %dma_start3A_34 = tpu.memref_slice %arg7[%dma_start3A_25, %dma_start3A_26, %dma_start3A_33] : memref<2x16x64xi32, #tpu.memory_space<vmem>> -> memref<1x1x64xi32, #tpu.memory_space<vmem>>
    %dma_start3A_35 = tpu.memref_squeeze %dma_start3A_34 : memref<1x1x64xi32, #tpu.memory_space<vmem>> -> memref<64xi32, #tpu.memory_space<vmem>>
    %dma_start3A_36 = arith.constant 0 : i32
    %dma_start3A_37 = arith.constant 0 : i32
    %dma_start3A_38 = tpu.memref_slice %arg2[%dma_start3A_36, %dma_start3A_37] : memref<10000x128xf32, #tpu.memory_space<hbm>> -> memref<10000x128xf32, #tpu.memory_space<hbm>>
    %dma_start3A_39 = tpu.memref_slice %arg11[%dma_start3A_28] : memref<5x!tpu.dma_semaphore, #tpu.memory_space<semaphore_mem>> -> memref<1x!tpu.dma_semaphore, #tpu.memory_space<semaphore_mem>>
    %dma_start3A_40 = tpu.memref_squeeze %dma_start3A_39 : memref<1x!tpu.dma_semaphore, #tpu.memory_space<semaphore_mem>> -> memref<!tpu.dma_semaphore, #tpu.memory_space<semaphore_mem>>
    tpu.enqueue_indirect_dma source(%dma_start3A_38 : memref<10000x128xf32, #tpu.memory_space<hbm>>) target(%dma_start3A_32 : memref<64x128xf32, #tpu.memory_space<vmem>>) offsets(%dma_start3A_35 : memref<64xi32, #tpu.memory_space<vmem>>) semaphore(%dma_start3A_40 : memref<!tpu.dma_semaphore, #tpu.memory_space<semaphore_mem>>)
    %dma_start3A_41 = arith.constant 0 : i32
    %dma_start3A_42 = arith.constant 2 : i32
    %dma_start3A_43 = arith.constant 2 : i32
    %dma_start3A_44 = arith.constant 2 : i32
    %dma_start3A_45 = arith.constant 0 : i32
    %dma_start3A_46 = arith.constant 0 : i32
    %dma_start3A_47 = tpu.memref_slice %arg9[%dma_start3A_43, %dma_start3A_45, %dma_start3A_46] : memref<5x64x128xf32, #tpu.memory_space<vmem>> -> memref<1x64x128xf32, #tpu.memory_space<vmem>>
    %dma_start3A_48 = tpu.memref_squeeze %dma_start3A_47 : memref<1x64x128xf32, #tpu.memory_space<vmem>> -> memref<64x128xf32, #tpu.memory_space<vmem>>
    %dma_start3A_49 = arith.constant 0 : i32
    %dma_start3A_50 = tpu.memref_slice %arg7[%dma_start3A_41, %dma_start3A_42, %dma_start3A_49] : memref<2x16x64xi32, #tpu.memory_space<vmem>> -> memref<1x1x64xi32, #tpu.memory_space<vmem>>
    %dma_start3A_51 = tpu.memref_squeeze %dma_start3A_50 : memref<1x1x64xi32, #tpu.memory_space<vmem>> -> memref<64xi32, #tpu.memory_space<vmem>>
    %dma_start3A_52 = arith.constant 0 : i32
    %dma_start3A_53 = arith.constant 0 : i32
    %dma_start3A_54 = tpu.memref_slice %arg2[%dma_start3A_52, %dma_start3A_53] : memref<10000x128xf32, #tpu.memory_space<hbm>> -> memref<10000x128xf32, #tpu.memory_space<hbm>>
    %dma_start3A_55 = tpu.memref_slice %arg11[%dma_start3A_44] : memref<5x!tpu.dma_semaphore, #tpu.memory_space<semaphore_mem>> -> memref<1x!tpu.dma_semaphore, #tpu.memory_space<semaphore_mem>>
    %dma_start3A_56 = tpu.memref_squeeze %dma_start3A_55 : memref<1x!tpu.dma_semaphore, #tpu.memory_space<semaphore_mem>> -> memref<!tpu.dma_semaphore, #tpu.memory_space<semaphore_mem>>
    tpu.enqueue_indirect_dma source(%dma_start3A_54 : memref<10000x128xf32, #tpu.memory_space<hbm>>) target(%dma_start3A_48 : memref<64x128xf32, #tpu.memory_space<vmem>>) offsets(%dma_start3A_51 : memref<64xi32, #tpu.memory_space<vmem>>) semaphore(%dma_start3A_56 : memref<!tpu.dma_semaphore, #tpu.memory_space<semaphore_mem>>)
    %dma_start3A_57 = arith.constant 0 : i32
    %dma_start3A_58 = arith.constant 3 : i32
    %dma_start3A_59 = arith.constant 3 : i32
    %dma_start3A_60 = arith.constant 3 : i32
    %dma_start3A_61 = arith.constant 0 : i32
    %dma_start3A_62 = arith.constant 0 : i32
    %dma_start3A_63 = tpu.memref_slice %arg9[%dma_start3A_59, %dma_start3A_61, %dma_start3A_62] : memref<5x64x128xf32, #tpu.memory_space<vmem>> -> memref<1x64x128xf32, #tpu.memory_space<vmem>>
    %dma_start3A_64 = tpu.memref_squeeze %dma_start3A_63 : memref<1x64x128xf32, #tpu.memory_space<vmem>> -> memref<64x128xf32, #tpu.memory_space<vmem>>
    %dma_start3A_65 = arith.constant 0 : i32
    %dma_start3A_66 = tpu.memref_slice %arg7[%dma_start3A_57, %dma_start3A_58, %dma_start3A_65] : memref<2x16x64xi32, #tpu.memory_space<vmem>> -> memref<1x1x64xi32, #tpu.memory_space<vmem>>
    %dma_start3A_67 = tpu.memref_squeeze %dma_start3A_66 : memref<1x1x64xi32, #tpu.memory_space<vmem>> -> memref<64xi32, #tpu.memory_space<vmem>>
    %dma_start3A_68 = arith.constant 0 : i32
    %dma_start3A_69 = arith.constant 0 : i32
    %dma_start3A_70 = tpu.memref_slice %arg2[%dma_start3A_68, %dma_start3A_69] : memref<10000x128xf32, #tpu.memory_space<hbm>> -> memref<10000x128xf32, #tpu.memory_space<hbm>>
    %dma_start3A_71 = tpu.memref_slice %arg11[%dma_start3A_60] : memref<5x!tpu.dma_semaphore, #tpu.memory_space<semaphore_mem>> -> memref<1x!tpu.dma_semaphore, #tpu.memory_space<semaphore_mem>>
    %dma_start3A_72 = tpu.memref_squeeze %dma_start3A_71 : memref<1x!tpu.dma_semaphore, #tpu.memory_space<semaphore_mem>> -> memref<!tpu.dma_semaphore, #tpu.memory_space<semaphore_mem>>
    tpu.enqueue_indirect_dma source(%dma_start3A_70 : memref<10000x128xf32, #tpu.memory_space<hbm>>) target(%dma_start3A_64 : memref<64x128xf32, #tpu.memory_space<vmem>>) offsets(%dma_start3A_67 : memref<64xi32, #tpu.memory_space<vmem>>) semaphore(%dma_start3A_72 : memref<!tpu.dma_semaphore, #tpu.memory_space<semaphore_mem>>)
    %mul3A_73 = arith.constant 632 : i32
    %mul3A_74 = arith.muli %arg1, %mul3A_73 : i32
    %mul3A_75 = arith.constant 632 : i32
    %mul3A_76 = arith.muli %arg1, %mul3A_75 : i32
    %dma_wait3A = arith.constant 0 : i32
    %dma_wait3A_77 = tpu.memref_slice %arg10[%mul3A_76, %dma_wait3A] : memref<10112x128xf32, #tpu.memory_space<vmem_shared>> -> memref<632x128xf32, #tpu.memory_space<vmem_shared>>
    %dma_wait3A_78 = arith.constant 0 : i32
    %dma_wait3A_79 = tpu.memref_slice %arg5[%mul3A_74, %dma_wait3A_78] : memref<10112x128xf32, #tpu.memory_space<hbm>> -> memref<632x128xf32, #tpu.memory_space<hbm>>
    tpu.wait_dma2 semaphore(%arg14 : memref<!tpu.dma_semaphore, #tpu.memory_space<semaphore_mem>>) src(%dma_wait3A_79 : memref<632x128xf32, #tpu.memory_space<hbm>>) dst(%dma_wait3A_77 : memref<632x128xf32, #tpu.memory_space<vmem_shared>>)
    %barrier3A = arith.constant 0 : index
    tpu.barrier barrier_id(%barrier3A)
    %scan3A = arith.constant 0 : i32
    %scan3A_80 = arith.constant 0 : i32
    %scan3A_81 = arith.constant 10 : i32
    %scan3A_82 = arith.addi %scan3A_80, %scan3A_81 : i32
    %scan3A_83 = arith.constant 1 : i32
    scf.for %scan3A_106 = %scan3A_80 to %scan3A_82 step %scan3A_83  : i32 {
      %rem3A = arith.constant 2 : i32
      %rem3A_107 = arith.remsi %scan3A_106, %rem3A : i32
      %add3A_108 = arith.constant 1 : i32
      %add3A_109 = arith.addi %scan3A_106, %add3A_108 : i32
      %lt3A = arith.constant 10 : i32
      %lt3A_110 = arith.cmpi slt, %add3A_109, %lt3A : i32
      %convert_element_type3A = arith.extui %lt3A_110 : i1 to i32
      %cond3A = arith.constant 0 : i32
      %cond3A_111 = arith.cmpi ne, %convert_element_type3A, %cond3A : i32
      scf.if %cond3A_111 {
        %add3A_117 = arith.constant 1 : i32
        %add3A_118 = arith.addi %scan3A_106, %add3A_117 : i32
        %mul3A_119 = arith.constant 16 : i32
        %mul3A_120 = arith.muli %add3A_118, %mul3A_119 : i32
        %sub3A = arith.constant 1 : i32
        %sub3A_121 = arith.subi %sub3A, %rem3A_107 : i32
        %dma_start3A_122 = arith.constant 0 : i32
        %dma_start3A_123 = arith.constant 0 : i32
        %dma_start3A_124 = tpu.memref_slice %arg7[%sub3A_121, %dma_start3A_122, %dma_start3A_123] : memref<2x16x64xi32, #tpu.memory_space<vmem>> -> memref<1x16x64xi32, #tpu.memory_space<vmem>>
        %dma_start3A_125 = tpu.memref_squeeze %dma_start3A_124 : memref<1x16x64xi32, #tpu.memory_space<vmem>> -> memref<16x64xi32, #tpu.memory_space<vmem>>
        %dma_start3A_126 = arith.constant 0 : i32
        %dma_start3A_127 = tpu.memref_slice %arg3[%add3A, %mul3A_120, %dma_start3A_126] : memref<32x160x64xi32, #tpu.memory_space<hbm>> -> memref<1x16x64xi32, #tpu.memory_space<hbm>>
        %dma_start3A_128 = tpu.memref_squeeze %dma_start3A_127 : memref<1x16x64xi32, #tpu.memory_space<hbm>> -> memref<16x64xi32, #tpu.memory_space<hbm>>
        %dma_start3A_129 = arith.constant 0 : i32
        %dma_start3A_130 = arith.constant 0 : i32
        %dma_start3A_131 = tpu.memref_slice %arg7[%sub3A_121, %dma_start3A_129, %dma_start3A_130] : memref<2x16x64xi32, #tpu.memory_space<vmem>> -> memref<1x16x64xi32, #tpu.memory_space<vmem>>
        %dma_start3A_132 = tpu.memref_squeeze %dma_start3A_131 : memref<1x16x64xi32, #tpu.memory_space<vmem>> -> memref<16x64xi32, #tpu.memory_space<vmem>>
        %dma_start3A_133 = arith.constant 0 : i32
        %dma_start3A_134 = tpu.memref_slice %arg3[%add3A, %mul3A_120, %dma_start3A_133] : memref<32x160x64xi32, #tpu.memory_space<hbm>> -> memref<1x16x64xi32, #tpu.memory_space<hbm>>
        %dma_start3A_135 = tpu.memref_squeeze %dma_start3A_134 : memref<1x16x64xi32, #tpu.memory_space<hbm>> -> memref<16x64xi32, #tpu.memory_space<hbm>>
        tpu.enqueue_dma source(%dma_start3A_135 : memref<16x64xi32, #tpu.memory_space<hbm>>) target(%dma_start3A_132 : memref<16x64xi32, #tpu.memory_space<vmem>>) target_semaphore(%arg13 : memref<!tpu.dma_semaphore, #tpu.memory_space<semaphore_mem>>)
        %add3A_136 = arith.constant 1 : i32
        %add3A_137 = arith.addi %scan3A_106, %add3A_136 : i32
        %mul3A_138 = arith.constant 16 : i32
        %mul3A_139 = arith.muli %add3A_137, %mul3A_138 : i32
        %sub3A_140 = arith.constant 1 : i32
        %sub3A_141 = arith.subi %sub3A_140, %rem3A_107 : i32
        %dma_start3A_142 = arith.constant 0 : i32
        %dma_start3A_143 = arith.constant 0 : i32
        %dma_start3A_144 = tpu.memref_slice %arg8[%sub3A_141, %dma_start3A_142, %dma_start3A_143] : memref<2x16x64xi32, #tpu.memory_space<vmem>> -> memref<1x16x64xi32, #tpu.memory_space<vmem>>
        %dma_start3A_145 = tpu.memref_squeeze %dma_start3A_144 : memref<1x16x64xi32, #tpu.memory_space<vmem>> -> memref<16x64xi32, #tpu.memory_space<vmem>>
        %dma_start3A_146 = arith.constant 0 : i32
        %dma_start3A_147 = tpu.memref_slice %arg4[%add3A, %mul3A_139, %dma_start3A_146] : memref<32x160x64xi32, #tpu.memory_space<hbm>> -> memref<1x16x64xi32, #tpu.memory_space<hbm>>
        %dma_start3A_148 = tpu.memref_squeeze %dma_start3A_147 : memref<1x16x64xi32, #tpu.memory_space<hbm>> -> memref<16x64xi32, #tpu.memory_space<hbm>>
        %dma_start3A_149 = arith.constant 0 : i32
        %dma_start3A_150 = arith.constant 0 : i32
        %dma_start3A_151 = tpu.memref_slice %arg8[%sub3A_141, %dma_start3A_149, %dma_start3A_150] : memref<2x16x64xi32, #tpu.memory_space<vmem>> -> memref<1x16x64xi32, #tpu.memory_space<vmem>>
        %dma_start3A_152 = tpu.memref_squeeze %dma_start3A_151 : memref<1x16x64xi32, #tpu.memory_space<vmem>> -> memref<16x64xi32, #tpu.memory_space<vmem>>
        %dma_start3A_153 = arith.constant 0 : i32
        %dma_start3A_154 = tpu.memref_slice %arg4[%add3A, %mul3A_139, %dma_start3A_153] : memref<32x160x64xi32, #tpu.memory_space<hbm>> -> memref<1x16x64xi32, #tpu.memory_space<hbm>>
        %dma_start3A_155 = tpu.memref_squeeze %dma_start3A_154 : memref<1x16x64xi32, #tpu.memory_space<hbm>> -> memref<16x64xi32, #tpu.memory_space<hbm>>
        tpu.enqueue_dma source(%dma_start3A_155 : memref<16x64xi32, #tpu.memory_space<hbm>>) target(%dma_start3A_152 : memref<16x64xi32, #tpu.memory_space<vmem>>) target_semaphore(%arg13 : memref<!tpu.dma_semaphore, #tpu.memory_space<semaphore_mem>>)
      } else {
      }
      %scan3A_112 = arith.constant 0 : i32
      %scan3A_113 = arith.constant 16 : i32
      %scan3A_114 = arith.addi %scan3A_112, %scan3A_113 : i32
      %scan3A_115 = arith.constant 1 : i32
      scf.for %scan3A_117 = %scan3A_112 to %scan3A_114 step %scan3A_115  : i32 {
        %mul3A_118 = arith.constant 16 : i32
        %mul3A_119 = arith.muli %scan3A_106, %mul3A_118 : i32
        %add3A_120 = arith.addi %mul3A_119, %scan3A_117 : i32
        %rem3A_121 = arith.constant 5 : i32
        %rem3A_122 = arith.remsi %add3A_120, %rem3A_121 : i32
        %add3A_123 = arith.constant 4 : i32
        %add3A_124 = arith.addi %scan3A_117, %add3A_123 : i32
        %ge3A = arith.constant 1 : i32
        %ge3A_125 = arith.cmpi sge, %add3A_120, %ge3A : i32
        %convert_element_type3A_126 = arith.extui %ge3A_125 : i1 to i32
        %cond3A_127 = arith.constant 0 : i32
        %cond3A_128 = arith.cmpi ne, %convert_element_type3A_126, %cond3A_127 : i32
        scf.if %cond3A_128 {
          %sub3A = arith.constant 1 : i32
          %sub3A_180 = arith.subi %add3A_120, %sub3A : i32
          %rem3A_181 = arith.constant 5 : i32
          %rem3A_182 = arith.remsi %sub3A_180, %rem3A_181 : i32
          %sub3A_183 = arith.constant 1 : i32
          %sub3A_184 = arith.subi %add3A_120, %sub3A_183 : i32
          %rem3A_185 = arith.constant 5 : i32
          %rem3A_186 = arith.remsi %sub3A_184, %rem3A_185 : i32
          %dma_wait3A_187 = arith.constant 0 : i32
          %dma_wait3A_188 = arith.constant 0 : i32
          %dma_wait3A_189 = tpu.memref_slice %arg9[%rem3A_182, %dma_wait3A_187, %dma_wait3A_188] : memref<5x64x128xf32, #tpu.memory_space<vmem>> -> memref<1x64x128xf32, #tpu.memory_space<vmem>>
          %dma_wait3A_190 = tpu.memref_squeeze %dma_wait3A_189 : memref<1x64x128xf32, #tpu.memory_space<vmem>> -> memref<64x128xf32, #tpu.memory_space<vmem>>
          %dma_wait3A_191 = arith.constant 0 : i32
          %dma_wait3A_192 = tpu.memref_slice %arg8[%rem3A_107, %scan3A_117, %dma_wait3A_191] : memref<2x16x64xi32, #tpu.memory_space<vmem>> -> memref<1x1x64xi32, #tpu.memory_space<vmem>>
          %dma_wait3A_193 = tpu.memref_squeeze %dma_wait3A_192 : memref<1x1x64xi32, #tpu.memory_space<vmem>> -> memref<64xi32, #tpu.memory_space<vmem>>
          %dma_wait3A_194 = arith.constant 0 : i32
          %dma_wait3A_195 = arith.constant 0 : i32
          %dma_wait3A_196 = tpu.memref_slice %arg10[%dma_wait3A_194, %dma_wait3A_195] : memref<10112x128xf32, #tpu.memory_space<vmem_shared>> -> memref<10112x128xf32, #tpu.memory_space<vmem_shared>>
          %dma_wait3A_197 = tpu.memref_slice %arg12[%rem3A_186] : memref<5x!tpu.dma_semaphore, #tpu.memory_space<semaphore_mem>> -> memref<1x!tpu.dma_semaphore, #tpu.memory_space<semaphore_mem>>
          %dma_wait3A_198 = tpu.memref_squeeze %dma_wait3A_197 : memref<1x!tpu.dma_semaphore, #tpu.memory_space<semaphore_mem>> -> memref<!tpu.dma_semaphore, #tpu.memory_space<semaphore_mem>>
          tpu.wait_indirect_dma semaphore(%dma_wait3A_198 : memref<!tpu.dma_semaphore, #tpu.memory_space<semaphore_mem>>) src(%dma_wait3A_190 : memref<64x128xf32, #tpu.memory_space<vmem>>) dst(%dma_wait3A_196 : memref<10112x128xf32, #tpu.memory_space<vmem_shared>>)
        } else {
        }
        %eq3A = arith.constant 16 : i32
        %eq3A_129 = arith.cmpi eq, %add3A_124, %eq3A : i32
        %add3A_130 = arith.constant 1 : i32
        %add3A_131 = arith.addi %scan3A_106, %add3A_130 : i32
        %lt3A_132 = arith.constant 10 : i32
        %lt3A_133 = arith.cmpi slt, %add3A_131, %lt3A_132 : i32
        %and3A = arith.andi %eq3A_129, %lt3A_133 : i1
        %convert_element_type3A_134 = arith.extui %and3A : i1 to i32
        %cond3A_135 = arith.constant 0 : i32
        %cond3A_136 = arith.cmpi ne, %convert_element_type3A_134, %cond3A_135 : i32
        scf.if %cond3A_136 {
          %add3A_180 = arith.constant 1 : i32
          %add3A_181 = arith.addi %scan3A_106, %add3A_180 : i32
          %mul3A_182 = arith.constant 16 : i32
          %mul3A_183 = arith.muli %add3A_181, %mul3A_182 : i32
          %sub3A = arith.constant 1 : i32
          %sub3A_184 = arith.subi %sub3A, %rem3A_107 : i32
          %dma_wait3A_185 = arith.constant 0 : i32
          %dma_wait3A_186 = arith.constant 0 : i32
          %dma_wait3A_187 = tpu.memref_slice %arg7[%sub3A_184, %dma_wait3A_185, %dma_wait3A_186] : memref<2x16x64xi32, #tpu.memory_space<vmem>> -> memref<1x16x64xi32, #tpu.memory_space<vmem>>
          %dma_wait3A_188 = tpu.memref_squeeze %dma_wait3A_187 : memref<1x16x64xi32, #tpu.memory_space<vmem>> -> memref<16x64xi32, #tpu.memory_space<vmem>>
          %dma_wait3A_189 = arith.constant 0 : i32
          %dma_wait3A_190 = tpu.memref_slice %arg3[%add3A, %mul3A_183, %dma_wait3A_189] : memref<32x160x64xi32, #tpu.memory_space<hbm>> -> memref<1x16x64xi32, #tpu.memory_space<hbm>>
          %dma_wait3A_191 = tpu.memref_squeeze %dma_wait3A_190 : memref<1x16x64xi32, #tpu.memory_space<hbm>> -> memref<16x64xi32, #tpu.memory_space<hbm>>
          %dma_wait3A_192 = arith.constant 0 : i32
          %dma_wait3A_193 = arith.constant 0 : i32
          %dma_wait3A_194 = tpu.memref_slice %arg7[%sub3A_184, %dma_wait3A_192, %dma_wait3A_193] : memref<2x16x64xi32, #tpu.memory_space<vmem>> -> memref<1x16x64xi32, #tpu.memory_space<vmem>>
          %dma_wait3A_195 = tpu.memref_squeeze %dma_wait3A_194 : memref<1x16x64xi32, #tpu.memory_space<vmem>> -> memref<16x64xi32, #tpu.memory_space<vmem>>
          %dma_wait3A_196 = arith.constant 0 : i32
          %dma_wait3A_197 = tpu.memref_slice %arg3[%add3A, %mul3A_183, %dma_wait3A_196] : memref<32x160x64xi32, #tpu.memory_space<hbm>> -> memref<1x16x64xi32, #tpu.memory_space<hbm>>
          %dma_wait3A_198 = tpu.memref_squeeze %dma_wait3A_197 : memref<1x16x64xi32, #tpu.memory_space<hbm>> -> memref<16x64xi32, #tpu.memory_space<hbm>>
          tpu.wait_dma2 semaphore(%arg13 : memref<!tpu.dma_semaphore, #tpu.memory_space<semaphore_mem>>) src(%dma_wait3A_198 : memref<16x64xi32, #tpu.memory_space<hbm>>) dst(%dma_wait3A_195 : memref<16x64xi32, #tpu.memory_space<vmem>>)
          %add3A_199 = arith.constant 1 : i32
          %add3A_200 = arith.addi %scan3A_106, %add3A_199 : i32
          %mul3A_201 = arith.constant 16 : i32
          %mul3A_202 = arith.muli %add3A_200, %mul3A_201 : i32
          %sub3A_203 = arith.constant 1 : i32
          %sub3A_204 = arith.subi %sub3A_203, %rem3A_107 : i32
          %dma_wait3A_205 = arith.constant 0 : i32
          %dma_wait3A_206 = arith.constant 0 : i32
          %dma_wait3A_207 = tpu.memref_slice %arg8[%sub3A_204, %dma_wait3A_205, %dma_wait3A_206] : memref<2x16x64xi32, #tpu.memory_space<vmem>> -> memref<1x16x64xi32, #tpu.memory_space<vmem>>
          %dma_wait3A_208 = tpu.memref_squeeze %dma_wait3A_207 : memref<1x16x64xi32, #tpu.memory_space<vmem>> -> memref<16x64xi32, #tpu.memory_space<vmem>>
          %dma_wait3A_209 = arith.constant 0 : i32
          %dma_wait3A_210 = tpu.memref_slice %arg4[%add3A, %mul3A_202, %dma_wait3A_209] : memref<32x160x64xi32, #tpu.memory_space<hbm>> -> memref<1x16x64xi32, #tpu.memory_space<hbm>>
          %dma_wait3A_211 = tpu.memref_squeeze %dma_wait3A_210 : memref<1x16x64xi32, #tpu.memory_space<hbm>> -> memref<16x64xi32, #tpu.memory_space<hbm>>
          %dma_wait3A_212 = arith.constant 0 : i32
          %dma_wait3A_213 = arith.constant 0 : i32
          %dma_wait3A_214 = tpu.memref_slice %arg8[%sub3A_204, %dma_wait3A_212, %dma_wait3A_213] : memref<2x16x64xi32, #tpu.memory_space<vmem>> -> memref<1x16x64xi32, #tpu.memory_space<vmem>>
          %dma_wait3A_215 = tpu.memref_squeeze %dma_wait3A_214 : memref<1x16x64xi32, #tpu.memory_space<vmem>> -> memref<16x64xi32, #tpu.memory_space<vmem>>
          %dma_wait3A_216 = arith.constant 0 : i32
          %dma_wait3A_217 = tpu.memref_slice %arg4[%add3A, %mul3A_202, %dma_wait3A_216] : memref<32x160x64xi32, #tpu.memory_space<hbm>> -> memref<1x16x64xi32, #tpu.memory_space<hbm>>
          %dma_wait3A_218 = tpu.memref_squeeze %dma_wait3A_217 : memref<1x16x64xi32, #tpu.memory_space<hbm>> -> memref<16x64xi32, #tpu.memory_space<hbm>>
          tpu.wait_dma2 semaphore(%arg13 : memref<!tpu.dma_semaphore, #tpu.memory_space<semaphore_mem>>) src(%dma_wait3A_218 : memref<16x64xi32, #tpu.memory_space<hbm>>) dst(%dma_wait3A_215 : memref<16x64xi32, #tpu.memory_space<vmem>>)
        } else {
        }
        %add3A_137 = arith.constant 4 : i32
        %add3A_138 = arith.addi %add3A_120, %add3A_137 : i32
        %rem3A_139 = arith.constant 5 : i32
        %rem3A_140 = arith.remsi %add3A_138, %rem3A_139 : i32
        %lt3A_141 = arith.constant 16 : i32
        %lt3A_142 = arith.cmpi slt, %add3A_124, %lt3A_141 : i32
        %convert_element_type3A_143 = arith.extui %lt3A_142 : i1 to i32
        %cond3A_144 = arith.constant 0 : i32
        %cond3A_145 = arith.cmpi ne, %convert_element_type3A_143, %cond3A_144 : i32
        scf.if %cond3A_145 {
          %dma_start3A_180 = arith.constant 0 : i32
          %dma_start3A_181 = arith.constant 0 : i32
          %dma_start3A_182 = tpu.memref_slice %arg9[%rem3A_140, %dma_start3A_180, %dma_start3A_181] : memref<5x64x128xf32, #tpu.memory_space<vmem>> -> memref<1x64x128xf32, #tpu.memory_space<vmem>>
          %dma_start3A_183 = tpu.memref_squeeze %dma_start3A_182 : memref<1x64x128xf32, #tpu.memory_space<vmem>> -> memref<64x128xf32, #tpu.memory_space<vmem>>
          %dma_start3A_184 = arith.constant 0 : i32
          %dma_start3A_185 = tpu.memref_slice %arg7[%rem3A_107, %add3A_124, %dma_start3A_184] : memref<2x16x64xi32, #tpu.memory_space<vmem>> -> memref<1x1x64xi32, #tpu.memory_space<vmem>>
          %dma_start3A_186 = tpu.memref_squeeze %dma_start3A_185 : memref<1x1x64xi32, #tpu.memory_space<vmem>> -> memref<64xi32, #tpu.memory_space<vmem>>
          %dma_start3A_187 = arith.constant 0 : i32
          %dma_start3A_188 = arith.constant 0 : i32
          %dma_start3A_189 = tpu.memref_slice %arg2[%dma_start3A_187, %dma_start3A_188] : memref<10000x128xf32, #tpu.memory_space<hbm>> -> memref<10000x128xf32, #tpu.memory_space<hbm>>
          %dma_start3A_190 = tpu.memref_slice %arg11[%rem3A_140] : memref<5x!tpu.dma_semaphore, #tpu.memory_space<semaphore_mem>> -> memref<1x!tpu.dma_semaphore, #tpu.memory_space<semaphore_mem>>
          %dma_start3A_191 = tpu.memref_squeeze %dma_start3A_190 : memref<1x!tpu.dma_semaphore, #tpu.memory_space<semaphore_mem>> -> memref<!tpu.dma_semaphore, #tpu.memory_space<semaphore_mem>>
          tpu.enqueue_indirect_dma source(%dma_start3A_189 : memref<10000x128xf32, #tpu.memory_space<hbm>>) target(%dma_start3A_183 : memref<64x128xf32, #tpu.memory_space<vmem>>) offsets(%dma_start3A_186 : memref<64xi32, #tpu.memory_space<vmem>>) semaphore(%dma_start3A_191 : memref<!tpu.dma_semaphore, #tpu.memory_space<semaphore_mem>>)
        } else {
        }
        %ge3A_146 = arith.constant 16 : i32
        %ge3A_147 = arith.cmpi sge, %add3A_124, %ge3A_146 : i32
        %add3A_148 = arith.constant 1 : i32
        %add3A_149 = arith.addi %scan3A_106, %add3A_148 : i32
        %lt3A_150 = arith.constant 10 : i32
        %lt3A_151 = arith.cmpi slt, %add3A_149, %lt3A_150 : i32
        %and3A_152 = arith.andi %ge3A_147, %lt3A_151 : i1
        %convert_element_type3A_153 = arith.extui %and3A_152 : i1 to i32
        %cond3A_154 = arith.constant 0 : i32
        %cond3A_155 = arith.cmpi ne, %convert_element_type3A_153, %cond3A_154 : i32
        scf.if %cond3A_155 {
          %sub3A = arith.constant 1 : i32
          %sub3A_180 = arith.subi %sub3A, %rem3A_107 : i32
          %sub3A_181 = arith.constant 16 : i32
          %sub3A_182 = arith.subi %add3A_124, %sub3A_181 : i32
          %dma_start3A_183 = arith.constant 0 : i32
          %dma_start3A_184 = arith.constant 0 : i32
          %dma_start3A_185 = tpu.memref_slice %arg9[%rem3A_140, %dma_start3A_183, %dma_start3A_184] : memref<5x64x128xf32, #tpu.memory_space<vmem>> -> memref<1x64x128xf32, #tpu.memory_space<vmem>>
          %dma_start3A_186 = tpu.memref_squeeze %dma_start3A_185 : memref<1x64x128xf32, #tpu.memory_space<vmem>> -> memref<64x128xf32, #tpu.memory_space<vmem>>
          %dma_start3A_187 = arith.constant 0 : i32
          %dma_start3A_188 = tpu.memref_slice %arg7[%sub3A_180, %sub3A_182, %dma_start3A_187] : memref<2x16x64xi32, #tpu.memory_space<vmem>> -> memref<1x1x64xi32, #tpu.memory_space<vmem>>
          %dma_start3A_189 = tpu.memref_squeeze %dma_start3A_188 : memref<1x1x64xi32, #tpu.memory_space<vmem>> -> memref<64xi32, #tpu.memory_space<vmem>>
          %dma_start3A_190 = arith.constant 0 : i32
          %dma_start3A_191 = arith.constant 0 : i32
          %dma_start3A_192 = tpu.memref_slice %arg2[%dma_start3A_190, %dma_start3A_191] : memref<10000x128xf32, #tpu.memory_space<hbm>> -> memref<10000x128xf32, #tpu.memory_space<hbm>>
          %dma_start3A_193 = tpu.memref_slice %arg11[%rem3A_140] : memref<5x!tpu.dma_semaphore, #tpu.memory_space<semaphore_mem>> -> memref<1x!tpu.dma_semaphore, #tpu.memory_space<semaphore_mem>>
          %dma_start3A_194 = tpu.memref_squeeze %dma_start3A_193 : memref<1x!tpu.dma_semaphore, #tpu.memory_space<semaphore_mem>> -> memref<!tpu.dma_semaphore, #tpu.memory_space<semaphore_mem>>
          tpu.enqueue_indirect_dma source(%dma_start3A_192 : memref<10000x128xf32, #tpu.memory_space<hbm>>) target(%dma_start3A_186 : memref<64x128xf32, #tpu.memory_space<vmem>>) offsets(%dma_start3A_189 : memref<64xi32, #tpu.memory_space<vmem>>) semaphore(%dma_start3A_194 : memref<!tpu.dma_semaphore, #tpu.memory_space<semaphore_mem>>)
        } else {
        }
        %dma_wait3A_156 = arith.constant 0 : i32
        %dma_wait3A_157 = arith.constant 0 : i32
        %dma_wait3A_158 = tpu.memref_slice %arg9[%rem3A_122, %dma_wait3A_156, %dma_wait3A_157] : memref<5x64x128xf32, #tpu.memory_space<vmem>> -> memref<1x64x128xf32, #tpu.memory_space<vmem>>
        %dma_wait3A_159 = tpu.memref_squeeze %dma_wait3A_158 : memref<1x64x128xf32, #tpu.memory_space<vmem>> -> memref<64x128xf32, #tpu.memory_space<vmem>>
        %dma_wait3A_160 = arith.constant 0 : i32
        %dma_wait3A_161 = tpu.memref_slice %arg7[%rem3A_107, %scan3A_117, %dma_wait3A_160] : memref<2x16x64xi32, #tpu.memory_space<vmem>> -> memref<1x1x64xi32, #tpu.memory_space<vmem>>
        %dma_wait3A_162 = tpu.memref_squeeze %dma_wait3A_161 : memref<1x1x64xi32, #tpu.memory_space<vmem>> -> memref<64xi32, #tpu.memory_space<vmem>>
        %dma_wait3A_163 = arith.constant 0 : i32
        %dma_wait3A_164 = arith.constant 0 : i32
        %dma_wait3A_165 = tpu.memref_slice %arg2[%dma_wait3A_163, %dma_wait3A_164] : memref<10000x128xf32, #tpu.memory_space<hbm>> -> memref<10000x128xf32, #tpu.memory_space<hbm>>
        %dma_wait3A_166 = tpu.memref_slice %arg11[%rem3A_122] : memref<5x!tpu.dma_semaphore, #tpu.memory_space<semaphore_mem>> -> memref<1x!tpu.dma_semaphore, #tpu.memory_space<semaphore_mem>>
        %dma_wait3A_167 = tpu.memref_squeeze %dma_wait3A_166 : memref<1x!tpu.dma_semaphore, #tpu.memory_space<semaphore_mem>> -> memref<!tpu.dma_semaphore, #tpu.memory_space<semaphore_mem>>
        tpu.wait_indirect_dma semaphore(%dma_wait3A_167 : memref<!tpu.dma_semaphore, #tpu.memory_space<semaphore_mem>>) src(%dma_wait3A_165 : memref<10000x128xf32, #tpu.memory_space<hbm>>) dst(%dma_wait3A_159 : memref<64x128xf32, #tpu.memory_space<vmem>>)
        %dma_start3A_168 = arith.constant 0 : i32
        %dma_start3A_169 = arith.constant 0 : i32
        %dma_start3A_170 = tpu.memref_slice %arg9[%rem3A_122, %dma_start3A_168, %dma_start3A_169] : memref<5x64x128xf32, #tpu.memory_space<vmem>> -> memref<1x64x128xf32, #tpu.memory_space<vmem>>
        %dma_start3A_171 = tpu.memref_squeeze %dma_start3A_170 : memref<1x64x128xf32, #tpu.memory_space<vmem>> -> memref<64x128xf32, #tpu.memory_space<vmem>>
        %dma_start3A_172 = arith.constant 0 : i32
        %dma_start3A_173 = tpu.memref_slice %arg8[%rem3A_107, %scan3A_117, %dma_start3A_172] : memref<2x16x64xi32, #tpu.memory_space<vmem>> -> memref<1x1x64xi32, #tpu.memory_space<vmem>>
        %dma_start3A_174 = tpu.memref_squeeze %dma_start3A_173 : memref<1x1x64xi32, #tpu.memory_space<vmem>> -> memref<64xi32, #tpu.memory_space<vmem>>
        %dma_start3A_175 = arith.constant 0 : i32
        %dma_start3A_176 = arith.constant 0 : i32
        %dma_start3A_177 = tpu.memref_slice %arg10[%dma_start3A_175, %dma_start3A_176] : memref<10112x128xf32, #tpu.memory_space<vmem_shared>> -> memref<10112x128xf32, #tpu.memory_space<vmem_shared>>
        %dma_start3A_178 = tpu.memref_slice %arg12[%rem3A_122] : memref<5x!tpu.dma_semaphore, #tpu.memory_space<semaphore_mem>> -> memref<1x!tpu.dma_semaphore, #tpu.memory_space<semaphore_mem>>
        %dma_start3A_179 = tpu.memref_squeeze %dma_start3A_178 : memref<1x!tpu.dma_semaphore, #tpu.memory_space<semaphore_mem>> -> memref<!tpu.dma_semaphore, #tpu.memory_space<semaphore_mem>>
        tpu.enqueue_indirect_dma source(%dma_start3A_171 : memref<64x128xf32, #tpu.memory_space<vmem>>) target(%dma_start3A_177 : memref<10112x128xf32, #tpu.memory_space<vmem_shared>>) offsets(%dma_start3A_174 : memref<64xi32, #tpu.memory_space<vmem>>) semaphore(%dma_start3A_179 : memref<!tpu.dma_semaphore, #tpu.memory_space<semaphore_mem>>) {add = true}
      }
      %scan3A_116 = arith.constant 16 : i32
    }
    %scan3A_84 = arith.constant 10 : i32
    %dma_wait3A_85 = arith.constant 4 : i32
    %dma_wait3A_86 = arith.constant 1 : i32
    %dma_wait3A_87 = arith.constant 15 : i32
    %dma_wait3A_88 = arith.constant 4 : i32
    %dma_wait3A_89 = arith.constant 0 : i32
    %dma_wait3A_90 = arith.constant 0 : i32
    %dma_wait3A_91 = tpu.memref_slice %arg9[%dma_wait3A_85, %dma_wait3A_89, %dma_wait3A_90] : memref<5x64x128xf32, #tpu.memory_space<vmem>> -> memref<1x64x128xf32, #tpu.memory_space<vmem>>
    %dma_wait3A_92 = tpu.memref_squeeze %dma_wait3A_91 : memref<1x64x128xf32, #tpu.memory_space<vmem>> -> memref<64x128xf32, #tpu.memory_space<vmem>>
    %dma_wait3A_93 = arith.constant 0 : i32
    %dma_wait3A_94 = tpu.memref_slice %arg8[%dma_wait3A_86, %dma_wait3A_87, %dma_wait3A_93] : memref<2x16x64xi32, #tpu.memory_space<vmem>> -> memref<1x1x64xi32, #tpu.memory_space<vmem>>
    %dma_wait3A_95 = tpu.memref_squeeze %dma_wait3A_94 : memref<1x1x64xi32, #tpu.memory_space<vmem>> -> memref<64xi32, #tpu.memory_space<vmem>>
    %dma_wait3A_96 = arith.constant 0 : i32
    %dma_wait3A_97 = arith.constant 0 : i32
    %dma_wait3A_98 = tpu.memref_slice %arg10[%dma_wait3A_96, %dma_wait3A_97] : memref<10112x128xf32, #tpu.memory_space<vmem_shared>> -> memref<10112x128xf32, #tpu.memory_space<vmem_shared>>
    %dma_wait3A_99 = tpu.memref_slice %arg12[%dma_wait3A_88] : memref<5x!tpu.dma_semaphore, #tpu.memory_space<semaphore_mem>> -> memref<1x!tpu.dma_semaphore, #tpu.memory_space<semaphore_mem>>
    %dma_wait3A_100 = tpu.memref_squeeze %dma_wait3A_99 : memref<1x!tpu.dma_semaphore, #tpu.memory_space<semaphore_mem>> -> memref<!tpu.dma_semaphore, #tpu.memory_space<semaphore_mem>>
    tpu.wait_indirect_dma semaphore(%dma_wait3A_100 : memref<!tpu.dma_semaphore, #tpu.memory_space<semaphore_mem>>) src(%dma_wait3A_92 : memref<64x128xf32, #tpu.memory_space<vmem>>) dst(%dma_wait3A_98 : memref<10112x128xf32, #tpu.memory_space<vmem_shared>>)
    %barrier3A_101 = arith.constant 0 : index
    tpu.barrier barrier_id(%barrier3A_101)
    %mul3A_102 = arith.constant 632 : i32
    %mul3A_103 = arith.muli %arg1, %mul3A_102 : i32
    %mul3A_104 = arith.constant 632 : i32
    %mul3A_105 = arith.muli %arg1, %mul3A_104 : i32
    "tpu.region"() ({
      %run_scoped3A_106 = tpu.sem_alloc : memref<!tpu.dma_semaphore, #tpu.memory_space<semaphore_mem>>
      %dma_start3A_107 = arith.constant 0 : i32
      %dma_start3A_108 = tpu.memref_slice %arg6[%arg0, %mul3A_105, %dma_start3A_107] : memref<2x10112x128xf32, #tpu.memory_space<hbm>> -> memref<1x632x128xf32, #tpu.memory_space<hbm>>
      %dma_start3A_109 = tpu.memref_squeeze %dma_start3A_108 : memref<1x632x128xf32, #tpu.memory_space<hbm>> -> memref<632x128xf32, #tpu.memory_space<hbm>>
      %dma_start3A_110 = arith.constant 0 : i32
      %dma_start3A_111 = tpu.memref_slice %arg10[%mul3A_103, %dma_start3A_110] : memref<10112x128xf32, #tpu.memory_space<vmem_shared>> -> memref<632x128xf32, #tpu.memory_space<vmem_shared>>
      tpu.enqueue_dma source(%dma_start3A_111 : memref<632x128xf32, #tpu.memory_space<vmem_shared>>) target(%dma_start3A_109 : memref<632x128xf32, #tpu.memory_space<hbm>>) target_semaphore(%run_scoped3A_106 : memref<!tpu.dma_semaphore, #tpu.memory_space<semaphore_mem>>)
      %dma_wait3A_112 = arith.constant 0 : i32
      %dma_wait3A_113 = tpu.memref_slice %arg6[%arg0, %mul3A_105, %dma_wait3A_112] : memref<2x10112x128xf32, #tpu.memory_space<hbm>> -> memref<1x632x128xf32, #tpu.memory_space<hbm>>
      %dma_wait3A_114 = tpu.memref_squeeze %dma_wait3A_113 : memref<1x632x128xf32, #tpu.memory_space<hbm>> -> memref<632x128xf32, #tpu.memory_space<hbm>>
      %dma_wait3A_115 = arith.constant 0 : i32
      %dma_wait3A_116 = tpu.memref_slice %arg10[%mul3A_103, %dma_wait3A_115] : memref<10112x128xf32, #tpu.memory_space<vmem_shared>> -> memref<632x128xf32, #tpu.memory_space<vmem_shared>>
      tpu.wait_dma2 semaphore(%run_scoped3A_106 : memref<!tpu.dma_semaphore, #tpu.memory_space<semaphore_mem>>) src(%dma_wait3A_116 : memref<632x128xf32, #tpu.memory_space<vmem_shared>>) dst(%dma_wait3A_114 : memref<632x128xf32, #tpu.memory_space<hbm>>)
      tpu.yield
    }) : () -> ()
    return
  }
}

#map = affine_map<(d0, d1) -> (0, 0, 0)>
#map1 = affine_map<(d0, d1) -> (0, 0)>
module attributes {stable_mosaic.version = 14 : i64} {
  func.func @_deg_body(%arg0: i32, %arg1: i32, %arg2: memref<32x160x64xi32, #tpu.memory_space<hbm>>, %arg3: memref<32x10112xf32, #tpu.memory_space<hbm>>, %arg4: memref<160x64xi32, #tpu.memory_space<vmem>>, %arg5: memref<10112xf32, #tpu.memory_space<vmem>>) attributes {dimension_semantics = [#tpu.dimension_semantics<core_parallel>, #tpu.dimension_semantics<subcore_parallel>], iteration_bounds = array<i64: 2, 16>, scalar_prefetch = 0 : i64, scratch_operands = 2 : i64, tpu.core_type = #tpu.core_type<sc_vector_subcore>, window_params = [{transform_indices = #map}, {transform_indices = #map1}]} {
    %mul3A = arith.constant 2 : i32
    %mul3A_0 = arith.muli %arg1, %mul3A : i32
    %add3A = arith.addi %mul3A_0, %arg0 : i32
    "tpu.region"() ({
      %run_scoped3A = tpu.sem_alloc : memref<!tpu.dma_semaphore, #tpu.memory_space<semaphore_mem>>
      %dma_start3A = arith.constant 0 : i32
      %dma_start3A_13 = arith.constant 0 : i32
      %dma_start3A_14 = tpu.memref_slice %arg2[%add3A, %dma_start3A, %dma_start3A_13] : memref<32x160x64xi32, #tpu.memory_space<hbm>> -> memref<1x160x64xi32, #tpu.memory_space<hbm>>
      %dma_start3A_15 = tpu.memref_squeeze %dma_start3A_14 : memref<1x160x64xi32, #tpu.memory_space<hbm>> -> memref<160x64xi32, #tpu.memory_space<hbm>>
      %dma_start3A_16 = arith.constant 0 : i32
      %dma_start3A_17 = arith.constant 0 : i32
      %dma_start3A_18 = tpu.memref_slice %arg2[%add3A, %dma_start3A_16, %dma_start3A_17] : memref<32x160x64xi32, #tpu.memory_space<hbm>> -> memref<1x160x64xi32, #tpu.memory_space<hbm>>
      %dma_start3A_19 = tpu.memref_squeeze %dma_start3A_18 : memref<1x160x64xi32, #tpu.memory_space<hbm>> -> memref<160x64xi32, #tpu.memory_space<hbm>>
      tpu.enqueue_dma source(%dma_start3A_19 : memref<160x64xi32, #tpu.memory_space<hbm>>) target(%arg4 : memref<160x64xi32, #tpu.memory_space<vmem>>) target_semaphore(%run_scoped3A : memref<!tpu.dma_semaphore, #tpu.memory_space<semaphore_mem>>)
      %dma_wait3A = arith.constant 0 : i32
      %dma_wait3A_20 = arith.constant 0 : i32
      %dma_wait3A_21 = tpu.memref_slice %arg2[%add3A, %dma_wait3A, %dma_wait3A_20] : memref<32x160x64xi32, #tpu.memory_space<hbm>> -> memref<1x160x64xi32, #tpu.memory_space<hbm>>
      %dma_wait3A_22 = tpu.memref_squeeze %dma_wait3A_21 : memref<1x160x64xi32, #tpu.memory_space<hbm>> -> memref<160x64xi32, #tpu.memory_space<hbm>>
      %dma_wait3A_23 = arith.constant 0 : i32
      %dma_wait3A_24 = arith.constant 0 : i32
      %dma_wait3A_25 = tpu.memref_slice %arg2[%add3A, %dma_wait3A_23, %dma_wait3A_24] : memref<32x160x64xi32, #tpu.memory_space<hbm>> -> memref<1x160x64xi32, #tpu.memory_space<hbm>>
      %dma_wait3A_26 = tpu.memref_squeeze %dma_wait3A_25 : memref<1x160x64xi32, #tpu.memory_space<hbm>> -> memref<160x64xi32, #tpu.memory_space<hbm>>
      tpu.wait_dma2 semaphore(%run_scoped3A : memref<!tpu.dma_semaphore, #tpu.memory_space<semaphore_mem>>) src(%dma_wait3A_26 : memref<160x64xi32, #tpu.memory_space<hbm>>) dst(%arg4 : memref<160x64xi32, #tpu.memory_space<vmem>>)
      tpu.yield
    }) : () -> ()
    %scan3A = arith.constant 0 : i32
    %scan3A_1 = arith.constant 0 : i32
    %scan3A_2 = arith.constant 632 : i32
    %scan3A_3 = arith.addi %scan3A_1, %scan3A_2 : i32
    %scan3A_4 = arith.constant 4 : i32
    scf.for %scan3A_13 = %scan3A_1 to %scan3A_3 step %scan3A_4  : i32 {
      %broadcast_in_dim3A_14 = arith.constant 0.000000e+00 : f32
      %broadcast_in_dim3A_15 = vector.broadcast %broadcast_in_dim3A_14 : f32 to vector<16xf32>
      %mul3A_16 = arith.constant 16 : i32
      %mul3A_17 = arith.muli %scan3A_13, %mul3A_16 : i32
      %swap3A = arith.index_cast %mul3A_17 : i32 to index
      %swap3A_18 = tpu.vector_load %arg5[%swap3A] {strides = array<i32>} : memref<10112xf32, #tpu.memory_space<vmem>>, vector<16xf32>,
      tpu.vector_store %arg5[%swap3A], %broadcast_in_dim3A_15 {strides = array<i32>} : memref<10112xf32, #tpu.memory_space<vmem>>, vector<16xf32>,
      %scan3A_19 = arith.constant 1 : i32
      %scan3A_20 = arith.addi %scan3A_13, %scan3A_19 : i32
      %broadcast_in_dim3A_21 = arith.constant 0.000000e+00 : f32
      %broadcast_in_dim3A_22 = vector.broadcast %broadcast_in_dim3A_21 : f32 to vector<16xf32>
      %mul3A_23 = arith.constant 16 : i32
      %mul3A_24 = arith.muli %scan3A_20, %mul3A_23 : i32
      %swap3A_25 = arith.index_cast %mul3A_24 : i32 to index
      %swap3A_26 = tpu.vector_load %arg5[%swap3A_25] {strides = array<i32>} : memref<10112xf32, #tpu.memory_space<vmem>>, vector<16xf32>,
      tpu.vector_store %arg5[%swap3A_25], %broadcast_in_dim3A_22 {strides = array<i32>} : memref<10112xf32, #tpu.memory_space<vmem>>, vector<16xf32>,
      %scan3A_27 = arith.constant 2 : i32
      %scan3A_28 = arith.addi %scan3A_13, %scan3A_27 : i32
      %broadcast_in_dim3A_29 = arith.constant 0.000000e+00 : f32
      %broadcast_in_dim3A_30 = vector.broadcast %broadcast_in_dim3A_29 : f32 to vector<16xf32>
      %mul3A_31 = arith.constant 16 : i32
      %mul3A_32 = arith.muli %scan3A_28, %mul3A_31 : i32
      %swap3A_33 = arith.index_cast %mul3A_32 : i32 to index
      %swap3A_34 = tpu.vector_load %arg5[%swap3A_33] {strides = array<i32>} : memref<10112xf32, #tpu.memory_space<vmem>>, vector<16xf32>,
      tpu.vector_store %arg5[%swap3A_33], %broadcast_in_dim3A_30 {strides = array<i32>} : memref<10112xf32, #tpu.memory_space<vmem>>, vector<16xf32>,
      %scan3A_35 = arith.constant 3 : i32
      %scan3A_36 = arith.addi %scan3A_13, %scan3A_35 : i32
      %broadcast_in_dim3A_37 = arith.constant 0.000000e+00 : f32
      %broadcast_in_dim3A_38 = vector.broadcast %broadcast_in_dim3A_37 : f32 to vector<16xf32>
      %mul3A_39 = arith.constant 16 : i32
      %mul3A_40 = arith.muli %scan3A_36, %mul3A_39 : i32
      %swap3A_41 = arith.index_cast %mul3A_40 : i32 to index
      %swap3A_42 = tpu.vector_load %arg5[%swap3A_41] {strides = array<i32>} : memref<10112xf32, #tpu.memory_space<vmem>>, vector<16xf32>,
      tpu.vector_store %arg5[%swap3A_41], %broadcast_in_dim3A_38 {strides = array<i32>} : memref<10112xf32, #tpu.memory_space<vmem>>, vector<16xf32>,
    }
    %scan3A_5 = arith.constant 632 : i32
    %broadcast_in_dim3A = arith.constant 1.000000e+00 : f32
    %broadcast_in_dim3A_6 = vector.broadcast %broadcast_in_dim3A : f32 to vector<16xf32>
    %scan3A_7 = arith.constant 0 : i32
    %scan3A_8 = arith.constant 0 : i32
    %scan3A_9 = arith.constant 640 : i32
    %scan3A_10 = arith.addi %scan3A_8, %scan3A_9 : i32
    %scan3A_11 = arith.constant 4 : i32
    scf.for %scan3A_13 = %scan3A_8 to %scan3A_10 step %scan3A_11  : i32 {
      %jit3A = arith.constant 4 : i32
      %div3A = arith.divsi %scan3A_13, %jit3A : i32
      %sign3A = arith.constant 0 : i32
      %sign3A_14 = arith.cmpi sgt, %scan3A_13, %sign3A : i32
      %sign3A_15 = arith.extui %sign3A_14 : i1 to i32
      %sign3A_16 = arith.constant 0 : i32
      %sign3A_17 = arith.cmpi slt, %scan3A_13, %sign3A_16 : i32
      %sign3A_18 = arith.extui %sign3A_17 : i1 to i32
      %sign3A_19 = arith.subi %sign3A_15, %sign3A_18 : i32
      %sign3A_20 = arith.constant 0 : i32
      %sign3A_21 = arith.cmpi sgt, %jit3A, %sign3A_20 : i32
      %sign3A_22 = arith.extui %sign3A_21 : i1 to i32
      %sign3A_23 = arith.constant 0 : i32
      %sign3A_24 = arith.cmpi slt, %jit3A, %sign3A_23 : i32
      %sign3A_25 = arith.extui %sign3A_24 : i1 to i32
      %sign3A_26 = arith.subi %sign3A_22, %sign3A_25 : i32
      %ne3A = arith.cmpi ne, %sign3A_19, %sign3A_26 : i32
      %rem3A = arith.remsi %scan3A_13, %jit3A : i32
      %ne3A_27 = arith.constant 0 : i32
      %ne3A_28 = arith.cmpi ne, %rem3A, %ne3A_27 : i32
      %and3A = arith.andi %ne3A, %ne3A_28 : i1
      %sub3A = arith.constant 1 : i32
      %sub3A_29 = arith.subi %div3A, %sub3A : i32
      %select_n3A = arith.select %and3A, %sub3A_29, %div3A : i32
      %jit3A_30 = arith.constant 4 : i32
      %eq3A = arith.constant 0 : i32
      %eq3A_31 = arith.cmpi eq, %jit3A_30, %eq3A : i32
      %jit3A_32 = arith.constant 1 : i32
      %select_n3A_33 = arith.select %eq3A_31, %jit3A_32, %jit3A_30 : i32
      %rem3A_34 = arith.remsi %scan3A_13, %select_n3A_33 : i32
      %ne3A_35 = arith.constant 0 : i32
      %ne3A_36 = arith.cmpi ne, %rem3A_34, %ne3A_35 : i32
      %lt3A = arith.constant 0 : i32
      %lt3A_37 = arith.cmpi slt, %rem3A_34, %lt3A : i32
      %lt3A_38 = arith.constant 0 : i32
      %lt3A_39 = arith.cmpi slt, %select_n3A_33, %lt3A_38 : i32
      %ne3A_40 = arith.xori %lt3A_37, %lt3A_39 : i1
      %and3A_41 = arith.andi %ne3A_40, %ne3A_36 : i1
      %add3A_42 = arith.addi %rem3A_34, %select_n3A_33 : i32
      %select_n3A_43 = arith.select %and3A_41, %add3A_42, %rem3A_34 : i32
      %mul3A_44 = arith.constant 16 : i32
      %mul3A_45 = arith.muli %select_n3A_43, %mul3A_44 : i32
      %get3A = arith.index_cast %select_n3A : i32 to index
      %get3A_46 = arith.index_cast %mul3A_45 : i32 to index
      %get3A_47 = tpu.vector_load %arg4[%get3A, %get3A_46] {strides = array<i32>} : memref<160x64xi32, #tpu.memory_space<vmem>>, vector<16xi32>,
      tpu.vector_store_idx %arg5[%get3A_47], %broadcast_in_dim3A_6 {add = true} : memref<10112xf32, #tpu.memory_space<vmem>>[vector<16xi32>], vector<16xf32>,
      %scan3A_48 = arith.constant 1 : i32
      %scan3A_49 = arith.addi %scan3A_13, %scan3A_48 : i32
      %jit3A_50 = arith.constant 4 : i32
      %div3A_51 = arith.divsi %scan3A_49, %jit3A_50 : i32
      %sign3A_52 = arith.constant 0 : i32
      %sign3A_53 = arith.cmpi sgt, %scan3A_49, %sign3A_52 : i32
      %sign3A_54 = arith.extui %sign3A_53 : i1 to i32
      %sign3A_55 = arith.constant 0 : i32
      %sign3A_56 = arith.cmpi slt, %scan3A_49, %sign3A_55 : i32
      %sign3A_57 = arith.extui %sign3A_56 : i1 to i32
      %sign3A_58 = arith.subi %sign3A_54, %sign3A_57 : i32
      %sign3A_59 = arith.constant 0 : i32
      %sign3A_60 = arith.cmpi sgt, %jit3A_50, %sign3A_59 : i32
      %sign3A_61 = arith.extui %sign3A_60 : i1 to i32
      %sign3A_62 = arith.constant 0 : i32
      %sign3A_63 = arith.cmpi slt, %jit3A_50, %sign3A_62 : i32
      %sign3A_64 = arith.extui %sign3A_63 : i1 to i32
      %sign3A_65 = arith.subi %sign3A_61, %sign3A_64 : i32
      %ne3A_66 = arith.cmpi ne, %sign3A_58, %sign3A_65 : i32
      %rem3A_67 = arith.remsi %scan3A_49, %jit3A_50 : i32
      %ne3A_68 = arith.constant 0 : i32
      %ne3A_69 = arith.cmpi ne, %rem3A_67, %ne3A_68 : i32
      %and3A_70 = arith.andi %ne3A_66, %ne3A_69 : i1
      %sub3A_71 = arith.constant 1 : i32
      %sub3A_72 = arith.subi %div3A_51, %sub3A_71 : i32
      %select_n3A_73 = arith.select %and3A_70, %sub3A_72, %div3A_51 : i32
      %jit3A_74 = arith.constant 4 : i32
      %eq3A_75 = arith.constant 0 : i32
      %eq3A_76 = arith.cmpi eq, %jit3A_74, %eq3A_75 : i32
      %jit3A_77 = arith.constant 1 : i32
      %select_n3A_78 = arith.select %eq3A_76, %jit3A_77, %jit3A_74 : i32
      %rem3A_79 = arith.remsi %scan3A_49, %select_n3A_78 : i32
      %ne3A_80 = arith.constant 0 : i32
      %ne3A_81 = arith.cmpi ne, %rem3A_79, %ne3A_80 : i32
      %lt3A_82 = arith.constant 0 : i32
      %lt3A_83 = arith.cmpi slt, %rem3A_79, %lt3A_82 : i32
      %lt3A_84 = arith.constant 0 : i32
      %lt3A_85 = arith.cmpi slt, %select_n3A_78, %lt3A_84 : i32
      %ne3A_86 = arith.xori %lt3A_83, %lt3A_85 : i1
      %and3A_87 = arith.andi %ne3A_86, %ne3A_81 : i1
      %add3A_88 = arith.addi %rem3A_79, %select_n3A_78 : i32
      %select_n3A_89 = arith.select %and3A_87, %add3A_88, %rem3A_79 : i32
      %mul3A_90 = arith.constant 16 : i32
      %mul3A_91 = arith.muli %select_n3A_89, %mul3A_90 : i32
      %get3A_92 = arith.index_cast %select_n3A_73 : i32 to index
      %get3A_93 = arith.index_cast %mul3A_91 : i32 to index
      %get3A_94 = tpu.vector_load %arg4[%get3A_92, %get3A_93] {strides = array<i32>} : memref<160x64xi32, #tpu.memory_space<vmem>>, vector<16xi32>,
      tpu.vector_store_idx %arg5[%get3A_94], %broadcast_in_dim3A_6 {add = true} : memref<10112xf32, #tpu.memory_space<vmem>>[vector<16xi32>], vector<16xf32>,
      %scan3A_95 = arith.constant 2 : i32
      %scan3A_96 = arith.addi %scan3A_13, %scan3A_95 : i32
      %jit3A_97 = arith.constant 4 : i32
      %div3A_98 = arith.divsi %scan3A_96, %jit3A_97 : i32
      %sign3A_99 = arith.constant 0 : i32
      %sign3A_100 = arith.cmpi sgt, %scan3A_96, %sign3A_99 : i32
      %sign3A_101 = arith.extui %sign3A_100 : i1 to i32
      %sign3A_102 = arith.constant 0 : i32
      %sign3A_103 = arith.cmpi slt, %scan3A_96, %sign3A_102 : i32
      %sign3A_104 = arith.extui %sign3A_103 : i1 to i32
      %sign3A_105 = arith.subi %sign3A_101, %sign3A_104 : i32
      %sign3A_106 = arith.constant 0 : i32
      %sign3A_107 = arith.cmpi sgt, %jit3A_97, %sign3A_106 : i32
      %sign3A_108 = arith.extui %sign3A_107 : i1 to i32
      %sign3A_109 = arith.constant 0 : i32
      %sign3A_110 = arith.cmpi slt, %jit3A_97, %sign3A_109 : i32
      %sign3A_111 = arith.extui %sign3A_110 : i1 to i32
      %sign3A_112 = arith.subi %sign3A_108, %sign3A_111 : i32
      %ne3A_113 = arith.cmpi ne, %sign3A_105, %sign3A_112 : i32
      %rem3A_114 = arith.remsi %scan3A_96, %jit3A_97 : i32
      %ne3A_115 = arith.constant 0 : i32
      %ne3A_116 = arith.cmpi ne, %rem3A_114, %ne3A_115 : i32
      %and3A_117 = arith.andi %ne3A_113, %ne3A_116 : i1
      %sub3A_118 = arith.constant 1 : i32
      %sub3A_119 = arith.subi %div3A_98, %sub3A_118 : i32
      %select_n3A_120 = arith.select %and3A_117, %sub3A_119, %div3A_98 : i32
      %jit3A_121 = arith.constant 4 : i32
      %eq3A_122 = arith.constant 0 : i32
      %eq3A_123 = arith.cmpi eq, %jit3A_121, %eq3A_122 : i32
      %jit3A_124 = arith.constant 1 : i32
      %select_n3A_125 = arith.select %eq3A_123, %jit3A_124, %jit3A_121 : i32
      %rem3A_126 = arith.remsi %scan3A_96, %select_n3A_125 : i32
      %ne3A_127 = arith.constant 0 : i32
      %ne3A_128 = arith.cmpi ne, %rem3A_126, %ne3A_127 : i32
      %lt3A_129 = arith.constant 0 : i32
      %lt3A_130 = arith.cmpi slt, %rem3A_126, %lt3A_129 : i32
      %lt3A_131 = arith.constant 0 : i32
      %lt3A_132 = arith.cmpi slt, %select_n3A_125, %lt3A_131 : i32
      %ne3A_133 = arith.xori %lt3A_130, %lt3A_132 : i1
      %and3A_134 = arith.andi %ne3A_133, %ne3A_128 : i1
      %add3A_135 = arith.addi %rem3A_126, %select_n3A_125 : i32
      %select_n3A_136 = arith.select %and3A_134, %add3A_135, %rem3A_126 : i32
      %mul3A_137 = arith.constant 16 : i32
      %mul3A_138 = arith.muli %select_n3A_136, %mul3A_137 : i32
      %get3A_139 = arith.index_cast %select_n3A_120 : i32 to index
      %get3A_140 = arith.index_cast %mul3A_138 : i32 to index
      %get3A_141 = tpu.vector_load %arg4[%get3A_139, %get3A_140] {strides = array<i32>} : memref<160x64xi32, #tpu.memory_space<vmem>>, vector<16xi32>,
      tpu.vector_store_idx %arg5[%get3A_141], %broadcast_in_dim3A_6 {add = true} : memref<10112xf32, #tpu.memory_space<vmem>>[vector<16xi32>], vector<16xf32>,
      %scan3A_142 = arith.constant 3 : i32
      %scan3A_143 = arith.addi %scan3A_13, %scan3A_142 : i32
      %jit3A_144 = arith.constant 4 : i32
      %div3A_145 = arith.divsi %scan3A_143, %jit3A_144 : i32
      %sign3A_146 = arith.constant 0 : i32
      %sign3A_147 = arith.cmpi sgt, %scan3A_143, %sign3A_146 : i32
      %sign3A_148 = arith.extui %sign3A_147 : i1 to i32
      %sign3A_149 = arith.constant 0 : i32
      %sign3A_150 = arith.cmpi slt, %scan3A_143, %sign3A_149 : i32
      %sign3A_151 = arith.extui %sign3A_150 : i1 to i32
      %sign3A_152 = arith.subi %sign3A_148, %sign3A_151 : i32
      %sign3A_153 = arith.constant 0 : i32
      %sign3A_154 = arith.cmpi sgt, %jit3A_144, %sign3A_153 : i32
      %sign3A_155 = arith.extui %sign3A_154 : i1 to i32
      %sign3A_156 = arith.constant 0 : i32
      %sign3A_157 = arith.cmpi slt, %jit3A_144, %sign3A_156 : i32
      %sign3A_158 = arith.extui %sign3A_157 : i1 to i32
      %sign3A_159 = arith.subi %sign3A_155, %sign3A_158 : i32
      %ne3A_160 = arith.cmpi ne, %sign3A_152, %sign3A_159 : i32
      %rem3A_161 = arith.remsi %scan3A_143, %jit3A_144 : i32
      %ne3A_162 = arith.constant 0 : i32
      %ne3A_163 = arith.cmpi ne, %rem3A_161, %ne3A_162 : i32
      %and3A_164 = arith.andi %ne3A_160, %ne3A_163 : i1
      %sub3A_165 = arith.constant 1 : i32
      %sub3A_166 = arith.subi %div3A_145, %sub3A_165 : i32
      %select_n3A_167 = arith.select %and3A_164, %sub3A_166, %div3A_145 : i32
      %jit3A_168 = arith.constant 4 : i32
      %eq3A_169 = arith.constant 0 : i32
      %eq3A_170 = arith.cmpi eq, %jit3A_168, %eq3A_169 : i32
      %jit3A_171 = arith.constant 1 : i32
      %select_n3A_172 = arith.select %eq3A_170, %jit3A_171, %jit3A_168 : i32
      %rem3A_173 = arith.remsi %scan3A_143, %select_n3A_172 : i32
      %ne3A_174 = arith.constant 0 : i32
      %ne3A_175 = arith.cmpi ne, %rem3A_173, %ne3A_174 : i32
      %lt3A_176 = arith.constant 0 : i32
      %lt3A_177 = arith.cmpi slt, %rem3A_173, %lt3A_176 : i32
      %lt3A_178 = arith.constant 0 : i32
      %lt3A_179 = arith.cmpi slt, %select_n3A_172, %lt3A_178 : i32
      %ne3A_180 = arith.xori %lt3A_177, %lt3A_179 : i1
      %and3A_181 = arith.andi %ne3A_180, %ne3A_175 : i1
      %add3A_182 = arith.addi %rem3A_173, %select_n3A_172 : i32
      %select_n3A_183 = arith.select %and3A_181, %add3A_182, %rem3A_173 : i32
      %mul3A_184 = arith.constant 16 : i32
      %mul3A_185 = arith.muli %select_n3A_183, %mul3A_184 : i32
      %get3A_186 = arith.index_cast %select_n3A_167 : i32 to index
      %get3A_187 = arith.index_cast %mul3A_185 : i32 to index
      %get3A_188 = tpu.vector_load %arg4[%get3A_186, %get3A_187] {strides = array<i32>} : memref<160x64xi32, #tpu.memory_space<vmem>>, vector<16xi32>,
      tpu.vector_store_idx %arg5[%get3A_188], %broadcast_in_dim3A_6 {add = true} : memref<10112xf32, #tpu.memory_space<vmem>>[vector<16xi32>], vector<16xf32>,
    }
    %scan3A_12 = arith.constant 640 : i32
    "tpu.region"() ({
      %run_scoped3A = tpu.sem_alloc : memref<!tpu.dma_semaphore, #tpu.memory_space<semaphore_mem>>
      %dma_start3A = arith.constant 0 : i32
      %dma_start3A_13 = tpu.memref_slice %arg3[%add3A, %dma_start3A] : memref<32x10112xf32, #tpu.memory_space<hbm>> -> memref<1x10112xf32, #tpu.memory_space<hbm>>
      %dma_start3A_14 = tpu.memref_squeeze %dma_start3A_13 : memref<1x10112xf32, #tpu.memory_space<hbm>> -> memref<10112xf32, #tpu.memory_space<hbm>>
      %dma_start3A_15 = arith.constant 0 : i32
      %dma_start3A_16 = tpu.memref_slice %arg3[%add3A, %dma_start3A_15] : memref<32x10112xf32, #tpu.memory_space<hbm>> -> memref<1x10112xf32, #tpu.memory_space<hbm>>
      %dma_start3A_17 = tpu.memref_squeeze %dma_start3A_16 : memref<1x10112xf32, #tpu.memory_space<hbm>> -> memref<10112xf32, #tpu.memory_space<hbm>>
      tpu.enqueue_dma source(%arg5 : memref<10112xf32, #tpu.memory_space<vmem>>) target(%dma_start3A_17 : memref<10112xf32, #tpu.memory_space<hbm>>) target_semaphore(%run_scoped3A : memref<!tpu.dma_semaphore, #tpu.memory_space<semaphore_mem>>)
      %dma_wait3A = arith.constant 0 : i32
      %dma_wait3A_18 = tpu.memref_slice %arg3[%add3A, %dma_wait3A] : memref<32x10112xf32, #tpu.memory_space<hbm>> -> memref<1x10112xf32, #tpu.memory_space<hbm>>
      %dma_wait3A_19 = tpu.memref_squeeze %dma_wait3A_18 : memref<1x10112xf32, #tpu.memory_space<hbm>> -> memref<10112xf32, #tpu.memory_space<hbm>>
      %dma_wait3A_20 = arith.constant 0 : i32
      %dma_wait3A_21 = tpu.memref_slice %arg3[%add3A, %dma_wait3A_20] : memref<32x10112xf32, #tpu.memory_space<hbm>> -> memref<1x10112xf32, #tpu.memory_space<hbm>>
      %dma_wait3A_22 = tpu.memref_squeeze %dma_wait3A_21 : memref<1x10112xf32, #tpu.memory_space<hbm>> -> memref<10112xf32, #tpu.memory_space<hbm>>
      tpu.wait_dma2 semaphore(%run_scoped3A : memref<!tpu.dma_semaphore, #tpu.memory_space<semaphore_mem>>) src(%arg5 : memref<10112xf32, #tpu.memory_space<vmem>>) dst(%dma_wait3A_22 : memref<10112xf32, #tpu.memory_space<hbm>>)
      tpu.yield
    }) : () -> ()
    return
  }
}

#map = affine_map<(d0, d1) -> (0, 0)>
#map1 = affine_map<(d0, d1) -> (0, 0, 0)>
module attributes {stable_mosaic.version = 14 : i64} {
  func.func @_agg_body(%arg0: i32, %arg1: i32, %arg2: memref<10000x128xf32, #tpu.memory_space<hbm>>, %arg3: memref<32x160x64xi32, #tpu.memory_space<hbm>>, %arg4: memref<32x160x64xi32, #tpu.memory_space<hbm>>, %arg5: memref<10112x128xf32, #tpu.memory_space<hbm>>, %arg6: memref<2x10112x128xf32, #tpu.memory_space<hbm>>, %arg7: memref<2x16x64xi32, #tpu.memory_space<vmem>>, %arg8: memref<2x16x64xi32, #tpu.memory_space<vmem>>, %arg9: memref<5x64x128xf32, #tpu.memory_space<vmem>>, %arg10: memref<10112x128xf32, #tpu.memory_space<vmem_shared>>, %arg11: memref<5x!tpu.dma_semaphore, #tpu.memory_space<semaphore_mem>>, %arg12: memref<5x!tpu.dma_semaphore, #tpu.memory_space<semaphore_mem>>, %arg13: memref<!tpu.dma_semaphore, #tpu.memory_space<semaphore_mem>>, %arg14: memref<!tpu.dma_semaphore, #tpu.memory_space<semaphore_mem>>) attributes {dimension_semantics = [#tpu.dimension_semantics<core_parallel>, #tpu.dimension_semantics<subcore_parallel>], iteration_bounds = array<i64: 2, 16>, scalar_prefetch = 0 : i64, scratch_operands = 8 : i64, tpu.core_type = #tpu.core_type<sc_vector_subcore>, window_params = [{transform_indices = #map}, {transform_indices = #map1}, {transform_indices = #map1}, {transform_indices = #map}, {transform_indices = #map1}]} {
    %mul3A = arith.constant 2 : i32
    %mul3A_0 = arith.muli %arg1, %mul3A : i32
    %add3A = arith.addi %mul3A_0, %arg0 : i32
    %mul3A_1 = arith.constant 632 : i32
    %mul3A_2 = arith.muli %arg1, %mul3A_1 : i32
    %mul3A_3 = arith.constant 632 : i32
    %mul3A_4 = arith.muli %arg1, %mul3A_3 : i32
    %dma_start3A = arith.constant 0 : i32
    %dma_start3A_5 = tpu.memref_slice %arg10[%mul3A_4, %dma_start3A] : memref<10112x128xf32, #tpu.memory_space<vmem_shared>> -> memref<632x128xf32, #tpu.memory_space<vmem_shared>>
    %dma_start3A_6 = arith.constant 0 : i32
    %dma_start3A_7 = tpu.memref_slice %arg5[%mul3A_2, %dma_start3A_6] : memref<10112x128xf32, #tpu.memory_space<hbm>> -> memref<632x128xf32, #tpu.memory_space<hbm>>
    tpu.enqueue_dma source(%dma_start3A_7 : memref<632x128xf32, #tpu.memory_space<hbm>>) target(%dma_start3A_5 : memref<632x128xf32, #tpu.memory_space<vmem_shared>>) target_semaphore(%arg14 : memref<!tpu.dma_semaphore, #tpu.memory_space<semaphore_mem>>)
    %run_scoped3A = arith.constant 0 : i32
    "tpu.region"() ({
      %run_scoped3A_106 = tpu.sem_alloc : memref<!tpu.dma_semaphore, #tpu.memory_space<semaphore_mem>>
      %dma_start3A_107 = arith.constant 0 : i32
      %dma_start3A_108 = arith.constant 0 : i32
      %dma_start3A_109 = tpu.memref_slice %arg7[%run_scoped3A, %dma_start3A_107, %dma_start3A_108] : memref<2x16x64xi32, #tpu.memory_space<vmem>> -> memref<1x16x64xi32, #tpu.memory_space<vmem>>
      %dma_start3A_110 = tpu.memref_squeeze %dma_start3A_109 : memref<1x16x64xi32, #tpu.memory_space<vmem>> -> memref<16x64xi32, #tpu.memory_space<vmem>>
      %dma_start3A_111 = arith.constant 0 : i32
      %dma_start3A_112 = arith.constant 0 : i32
      %dma_start3A_113 = tpu.memref_slice %arg3[%add3A, %dma_start3A_111, %dma_start3A_112] : memref<32x160x64xi32, #tpu.memory_space<hbm>> -> memref<1x16x64xi32, #tpu.memory_space<hbm>>
      %dma_start3A_114 = tpu.memref_squeeze %dma_start3A_113 : memref<1x16x64xi32, #tpu.memory_space<hbm>> -> memref<16x64xi32, #tpu.memory_space<hbm>>
      %dma_start3A_115 = arith.constant 0 : i32
      %dma_start3A_116 = arith.constant 0 : i32
      %dma_start3A_117 = tpu.memref_slice %arg7[%run_scoped3A, %dma_start3A_115, %dma_start3A_116] : memref<2x16x64xi32, #tpu.memory_space<vmem>> -> memref<1x16x64xi32, #tpu.memory_space<vmem>>
      %dma_start3A_118 = tpu.memref_squeeze %dma_start3A_117 : memref<1x16x64xi32, #tpu.memory_space<vmem>> -> memref<16x64xi32, #tpu.memory_space<vmem>>
      %dma_start3A_119 = arith.constant 0 : i32
      %dma_start3A_120 = arith.constant 0 : i32
      %dma_start3A_121 = tpu.memref_slice %arg3[%add3A, %dma_start3A_119, %dma_start3A_120] : memref<32x160x64xi32, #tpu.memory_space<hbm>> -> memref<1x16x64xi32, #tpu.memory_space<hbm>>
      %dma_start3A_122 = tpu.memref_squeeze %dma_start3A_121 : memref<1x16x64xi32, #tpu.memory_space<hbm>> -> memref<16x64xi32, #tpu.memory_space<hbm>>
      tpu.enqueue_dma source(%dma_start3A_122 : memref<16x64xi32, #tpu.memory_space<hbm>>) target(%dma_start3A_118 : memref<16x64xi32, #tpu.memory_space<vmem>>) target_semaphore(%run_scoped3A_106 : memref<!tpu.dma_semaphore, #tpu.memory_space<semaphore_mem>>)
      %dma_wait3A_123 = arith.constant 0 : i32
      %dma_wait3A_124 = arith.constant 0 : i32
      %dma_wait3A_125 = tpu.memref_slice %arg7[%run_scoped3A, %dma_wait3A_123, %dma_wait3A_124] : memref<2x16x64xi32, #tpu.memory_space<vmem>> -> memref<1x16x64xi32, #tpu.memory_space<vmem>>
      %dma_wait3A_126 = tpu.memref_squeeze %dma_wait3A_125 : memref<1x16x64xi32, #tpu.memory_space<vmem>> -> memref<16x64xi32, #tpu.memory_space<vmem>>
      %dma_wait3A_127 = arith.constant 0 : i32
      %dma_wait3A_128 = arith.constant 0 : i32
      %dma_wait3A_129 = tpu.memref_slice %arg3[%add3A, %dma_wait3A_127, %dma_wait3A_128] : memref<32x160x64xi32, #tpu.memory_space<hbm>> -> memref<1x16x64xi32, #tpu.memory_space<hbm>>
      %dma_wait3A_130 = tpu.memref_squeeze %dma_wait3A_129 : memref<1x16x64xi32, #tpu.memory_space<hbm>> -> memref<16x64xi32, #tpu.memory_space<hbm>>
      %dma_wait3A_131 = arith.constant 0 : i32
      %dma_wait3A_132 = arith.constant 0 : i32
      %dma_wait3A_133 = tpu.memref_slice %arg7[%run_scoped3A, %dma_wait3A_131, %dma_wait3A_132] : memref<2x16x64xi32, #tpu.memory_space<vmem>> -> memref<1x16x64xi32, #tpu.memory_space<vmem>>
      %dma_wait3A_134 = tpu.memref_squeeze %dma_wait3A_133 : memref<1x16x64xi32, #tpu.memory_space<vmem>> -> memref<16x64xi32, #tpu.memory_space<vmem>>
      %dma_wait3A_135 = arith.constant 0 : i32
      %dma_wait3A_136 = arith.constant 0 : i32
      %dma_wait3A_137 = tpu.memref_slice %arg3[%add3A, %dma_wait3A_135, %dma_wait3A_136] : memref<32x160x64xi32, #tpu.memory_space<hbm>> -> memref<1x16x64xi32, #tpu.memory_space<hbm>>
      %dma_wait3A_138 = tpu.memref_squeeze %dma_wait3A_137 : memref<1x16x64xi32, #tpu.memory_space<hbm>> -> memref<16x64xi32, #tpu.memory_space<hbm>>
      tpu.wait_dma2 semaphore(%run_scoped3A_106 : memref<!tpu.dma_semaphore, #tpu.memory_space<semaphore_mem>>) src(%dma_wait3A_138 : memref<16x64xi32, #tpu.memory_space<hbm>>) dst(%dma_wait3A_134 : memref<16x64xi32, #tpu.memory_space<vmem>>)
      tpu.yield
    }) : () -> ()
    %run_scoped3A_8 = arith.constant 0 : i32
    "tpu.region"() ({
      %run_scoped3A_106 = tpu.sem_alloc : memref<!tpu.dma_semaphore, #tpu.memory_space<semaphore_mem>>
      %dma_start3A_107 = arith.constant 0 : i32
      %dma_start3A_108 = arith.constant 0 : i32
      %dma_start3A_109 = tpu.memref_slice %arg8[%run_scoped3A_8, %dma_start3A_107, %dma_start3A_108] : memref<2x16x64xi32, #tpu.memory_space<vmem>> -> memref<1x16x64xi32, #tpu.memory_space<vmem>>
      %dma_start3A_110 = tpu.memref_squeeze %dma_start3A_109 : memref<1x16x64xi32, #tpu.memory_space<vmem>> -> memref<16x64xi32, #tpu.memory_space<vmem>>
      %dma_start3A_111 = arith.constant 0 : i32
      %dma_start3A_112 = arith.constant 0 : i32
      %dma_start3A_113 = tpu.memref_slice %arg4[%add3A, %dma_start3A_111, %dma_start3A_112] : memref<32x160x64xi32, #tpu.memory_space<hbm>> -> memref<1x16x64xi32, #tpu.memory_space<hbm>>
      %dma_start3A_114 = tpu.memref_squeeze %dma_start3A_113 : memref<1x16x64xi32, #tpu.memory_space<hbm>> -> memref<16x64xi32, #tpu.memory_space<hbm>>
      %dma_start3A_115 = arith.constant 0 : i32
      %dma_start3A_116 = arith.constant 0 : i32
      %dma_start3A_117 = tpu.memref_slice %arg8[%run_scoped3A_8, %dma_start3A_115, %dma_start3A_116] : memref<2x16x64xi32, #tpu.memory_space<vmem>> -> memref<1x16x64xi32, #tpu.memory_space<vmem>>
      %dma_start3A_118 = tpu.memref_squeeze %dma_start3A_117 : memref<1x16x64xi32, #tpu.memory_space<vmem>> -> memref<16x64xi32, #tpu.memory_space<vmem>>
      %dma_start3A_119 = arith.constant 0 : i32
      %dma_start3A_120 = arith.constant 0 : i32
      %dma_start3A_121 = tpu.memref_slice %arg4[%add3A, %dma_start3A_119, %dma_start3A_120] : memref<32x160x64xi32, #tpu.memory_space<hbm>> -> memref<1x16x64xi32, #tpu.memory_space<hbm>>
      %dma_start3A_122 = tpu.memref_squeeze %dma_start3A_121 : memref<1x16x64xi32, #tpu.memory_space<hbm>> -> memref<16x64xi32, #tpu.memory_space<hbm>>
      tpu.enqueue_dma source(%dma_start3A_122 : memref<16x64xi32, #tpu.memory_space<hbm>>) target(%dma_start3A_118 : memref<16x64xi32, #tpu.memory_space<vmem>>) target_semaphore(%run_scoped3A_106 : memref<!tpu.dma_semaphore, #tpu.memory_space<semaphore_mem>>)
      %dma_wait3A_123 = arith.constant 0 : i32
      %dma_wait3A_124 = arith.constant 0 : i32
      %dma_wait3A_125 = tpu.memref_slice %arg8[%run_scoped3A_8, %dma_wait3A_123, %dma_wait3A_124] : memref<2x16x64xi32, #tpu.memory_space<vmem>> -> memref<1x16x64xi32, #tpu.memory_space<vmem>>
      %dma_wait3A_126 = tpu.memref_squeeze %dma_wait3A_125 : memref<1x16x64xi32, #tpu.memory_space<vmem>> -> memref<16x64xi32, #tpu.memory_space<vmem>>
      %dma_wait3A_127 = arith.constant 0 : i32
      %dma_wait3A_128 = arith.constant 0 : i32
      %dma_wait3A_129 = tpu.memref_slice %arg4[%add3A, %dma_wait3A_127, %dma_wait3A_128] : memref<32x160x64xi32, #tpu.memory_space<hbm>> -> memref<1x16x64xi32, #tpu.memory_space<hbm>>
      %dma_wait3A_130 = tpu.memref_squeeze %dma_wait3A_129 : memref<1x16x64xi32, #tpu.memory_space<hbm>> -> memref<16x64xi32, #tpu.memory_space<hbm>>
      %dma_wait3A_131 = arith.constant 0 : i32
      %dma_wait3A_132 = arith.constant 0 : i32
      %dma_wait3A_133 = tpu.memref_slice %arg8[%run_scoped3A_8, %dma_wait3A_131, %dma_wait3A_132] : memref<2x16x64xi32, #tpu.memory_space<vmem>> -> memref<1x16x64xi32, #tpu.memory_space<vmem>>
      %dma_wait3A_134 = tpu.memref_squeeze %dma_wait3A_133 : memref<1x16x64xi32, #tpu.memory_space<vmem>> -> memref<16x64xi32, #tpu.memory_space<vmem>>
      %dma_wait3A_135 = arith.constant 0 : i32
      %dma_wait3A_136 = arith.constant 0 : i32
      %dma_wait3A_137 = tpu.memref_slice %arg4[%add3A, %dma_wait3A_135, %dma_wait3A_136] : memref<32x160x64xi32, #tpu.memory_space<hbm>> -> memref<1x16x64xi32, #tpu.memory_space<hbm>>
      %dma_wait3A_138 = tpu.memref_squeeze %dma_wait3A_137 : memref<1x16x64xi32, #tpu.memory_space<hbm>> -> memref<16x64xi32, #tpu.memory_space<hbm>>
      tpu.wait_dma2 semaphore(%run_scoped3A_106 : memref<!tpu.dma_semaphore, #tpu.memory_space<semaphore_mem>>) src(%dma_wait3A_138 : memref<16x64xi32, #tpu.memory_space<hbm>>) dst(%dma_wait3A_134 : memref<16x64xi32, #tpu.memory_space<vmem>>)
      tpu.yield
    }) : () -> ()
    %dma_start3A_9 = arith.constant 0 : i32
    %dma_start3A_10 = arith.constant 0 : i32
    %dma_start3A_11 = arith.constant 0 : i32
    %dma_start3A_12 = arith.constant 0 : i32
    %dma_start3A_13 = arith.constant 0 : i32
    %dma_start3A_14 = arith.constant 0 : i32
    %dma_start3A_15 = tpu.memref_slice %arg9[%dma_start3A_11, %dma_start3A_13, %dma_start3A_14] : memref<5x64x128xf32, #tpu.memory_space<vmem>> -> memref<1x64x128xf32, #tpu.memory_space<vmem>>
    %dma_start3A_16 = tpu.memref_squeeze %dma_start3A_15 : memref<1x64x128xf32, #tpu.memory_space<vmem>> -> memref<64x128xf32, #tpu.memory_space<vmem>>
    %dma_start3A_17 = arith.constant 0 : i32
    %dma_start3A_18 = tpu.memref_slice %arg7[%dma_start3A_9, %dma_start3A_10, %dma_start3A_17] : memref<2x16x64xi32, #tpu.memory_space<vmem>> -> memref<1x1x64xi32, #tpu.memory_space<vmem>>
    %dma_start3A_19 = tpu.memref_squeeze %dma_start3A_18 : memref<1x1x64xi32, #tpu.memory_space<vmem>> -> memref<64xi32, #tpu.memory_space<vmem>>
    %dma_start3A_20 = arith.constant 0 : i32
    %dma_start3A_21 = arith.constant 0 : i32
    %dma_start3A_22 = tpu.memref_slice %arg2[%dma_start3A_20, %dma_start3A_21] : memref<10000x128xf32, #tpu.memory_space<hbm>> -> memref<10000x128xf32, #tpu.memory_space<hbm>>
    %dma_start3A_23 = tpu.memref_slice %arg11[%dma_start3A_12] : memref<5x!tpu.dma_semaphore, #tpu.memory_space<semaphore_mem>> -> memref<1x!tpu.dma_semaphore, #tpu.memory_space<semaphore_mem>>
    %dma_start3A_24 = tpu.memref_squeeze %dma_start3A_23 : memref<1x!tpu.dma_semaphore, #tpu.memory_space<semaphore_mem>> -> memref<!tpu.dma_semaphore, #tpu.memory_space<semaphore_mem>>
    tpu.enqueue_indirect_dma source(%dma_start3A_22 : memref<10000x128xf32, #tpu.memory_space<hbm>>) target(%dma_start3A_16 : memref<64x128xf32, #tpu.memory_space<vmem>>) offsets(%dma_start3A_19 : memref<64xi32, #tpu.memory_space<vmem>>) semaphore(%dma_start3A_24 : memref<!tpu.dma_semaphore, #tpu.memory_space<semaphore_mem>>)
    %dma_start3A_25 = arith.constant 0 : i32
    %dma_start3A_26 = arith.constant 1 : i32
    %dma_start3A_27 = arith.constant 1 : i32
    %dma_start3A_28 = arith.constant 1 : i32
    %dma_start3A_29 = arith.constant 0 : i32
    %dma_start3A_30 = arith.constant 0 : i32
    %dma_start3A_31 = tpu.memref_slice %arg9[%dma_start3A_27, %dma_start3A_29, %dma_start3A_30] : memref<5x64x128xf32, #tpu.memory_space<vmem>> -> memref<1x64x128xf32, #tpu.memory_space<vmem>>
    %dma_start3A_32 = tpu.memref_squeeze %dma_start3A_31 : memref<1x64x128xf32, #tpu.memory_space<vmem>> -> memref<64x128xf32, #tpu.memory_space<vmem>>
    %dma_start3A_33 = arith.constant 0 : i32
    %dma_start3A_34 = tpu.memref_slice %arg7[%dma_start3A_25, %dma_start3A_26, %dma_start3A_33] : memref<2x16x64xi32, #tpu.memory_space<vmem>> -> memref<1x1x64xi32, #tpu.memory_space<vmem>>
    %dma_start3A_35 = tpu.memref_squeeze %dma_start3A_34 : memref<1x1x64xi32, #tpu.memory_space<vmem>> -> memref<64xi32, #tpu.memory_space<vmem>>
    %dma_start3A_36 = arith.constant 0 : i32
    %dma_start3A_37 = arith.constant 0 : i32
    %dma_start3A_38 = tpu.memref_slice %arg2[%dma_start3A_36, %dma_start3A_37] : memref<10000x128xf32, #tpu.memory_space<hbm>> -> memref<10000x128xf32, #tpu.memory_space<hbm>>
    %dma_start3A_39 = tpu.memref_slice %arg11[%dma_start3A_28] : memref<5x!tpu.dma_semaphore, #tpu.memory_space<semaphore_mem>> -> memref<1x!tpu.dma_semaphore, #tpu.memory_space<semaphore_mem>>
    %dma_start3A_40 = tpu.memref_squeeze %dma_start3A_39 : memref<1x!tpu.dma_semaphore, #tpu.memory_space<semaphore_mem>> -> memref<!tpu.dma_semaphore, #tpu.memory_space<semaphore_mem>>
    tpu.enqueue_indirect_dma source(%dma_start3A_38 : memref<10000x128xf32, #tpu.memory_space<hbm>>) target(%dma_start3A_32 : memref<64x128xf32, #tpu.memory_space<vmem>>) offsets(%dma_start3A_35 : memref<64xi32, #tpu.memory_space<vmem>>) semaphore(%dma_start3A_40 : memref<!tpu.dma_semaphore, #tpu.memory_space<semaphore_mem>>)
    %dma_start3A_41 = arith.constant 0 : i32
    %dma_start3A_42 = arith.constant 2 : i32
    %dma_start3A_43 = arith.constant 2 : i32
    %dma_start3A_44 = arith.constant 2 : i32
    %dma_start3A_45 = arith.constant 0 : i32
    %dma_start3A_46 = arith.constant 0 : i32
    %dma_start3A_47 = tpu.memref_slice %arg9[%dma_start3A_43, %dma_start3A_45, %dma_start3A_46] : memref<5x64x128xf32, #tpu.memory_space<vmem>> -> memref<1x64x128xf32, #tpu.memory_space<vmem>>
    %dma_start3A_48 = tpu.memref_squeeze %dma_start3A_47 : memref<1x64x128xf32, #tpu.memory_space<vmem>> -> memref<64x128xf32, #tpu.memory_space<vmem>>
    %dma_start3A_49 = arith.constant 0 : i32
    %dma_start3A_50 = tpu.memref_slice %arg7[%dma_start3A_41, %dma_start3A_42, %dma_start3A_49] : memref<2x16x64xi32, #tpu.memory_space<vmem>> -> memref<1x1x64xi32, #tpu.memory_space<vmem>>
    %dma_start3A_51 = tpu.memref_squeeze %dma_start3A_50 : memref<1x1x64xi32, #tpu.memory_space<vmem>> -> memref<64xi32, #tpu.memory_space<vmem>>
    %dma_start3A_52 = arith.constant 0 : i32
    %dma_start3A_53 = arith.constant 0 : i32
    %dma_start3A_54 = tpu.memref_slice %arg2[%dma_start3A_52, %dma_start3A_53] : memref<10000x128xf32, #tpu.memory_space<hbm>> -> memref<10000x128xf32, #tpu.memory_space<hbm>>
    %dma_start3A_55 = tpu.memref_slice %arg11[%dma_start3A_44] : memref<5x!tpu.dma_semaphore, #tpu.memory_space<semaphore_mem>> -> memref<1x!tpu.dma_semaphore, #tpu.memory_space<semaphore_mem>>
    %dma_start3A_56 = tpu.memref_squeeze %dma_start3A_55 : memref<1x!tpu.dma_semaphore, #tpu.memory_space<semaphore_mem>> -> memref<!tpu.dma_semaphore, #tpu.memory_space<semaphore_mem>>
    tpu.enqueue_indirect_dma source(%dma_start3A_54 : memref<10000x128xf32, #tpu.memory_space<hbm>>) target(%dma_start3A_48 : memref<64x128xf32, #tpu.memory_space<vmem>>) offsets(%dma_start3A_51 : memref<64xi32, #tpu.memory_space<vmem>>) semaphore(%dma_start3A_56 : memref<!tpu.dma_semaphore, #tpu.memory_space<semaphore_mem>>)
    %dma_start3A_57 = arith.constant 0 : i32
    %dma_start3A_58 = arith.constant 3 : i32
    %dma_start3A_59 = arith.constant 3 : i32
    %dma_start3A_60 = arith.constant 3 : i32
    %dma_start3A_61 = arith.constant 0 : i32
    %dma_start3A_62 = arith.constant 0 : i32
    %dma_start3A_63 = tpu.memref_slice %arg9[%dma_start3A_59, %dma_start3A_61, %dma_start3A_62] : memref<5x64x128xf32, #tpu.memory_space<vmem>> -> memref<1x64x128xf32, #tpu.memory_space<vmem>>
    %dma_start3A_64 = tpu.memref_squeeze %dma_start3A_63 : memref<1x64x128xf32, #tpu.memory_space<vmem>> -> memref<64x128xf32, #tpu.memory_space<vmem>>
    %dma_start3A_65 = arith.constant 0 : i32
    %dma_start3A_66 = tpu.memref_slice %arg7[%dma_start3A_57, %dma_start3A_58, %dma_start3A_65] : memref<2x16x64xi32, #tpu.memory_space<vmem>> -> memref<1x1x64xi32, #tpu.memory_space<vmem>>
    %dma_start3A_67 = tpu.memref_squeeze %dma_start3A_66 : memref<1x1x64xi32, #tpu.memory_space<vmem>> -> memref<64xi32, #tpu.memory_space<vmem>>
    %dma_start3A_68 = arith.constant 0 : i32
    %dma_start3A_69 = arith.constant 0 : i32
    %dma_start3A_70 = tpu.memref_slice %arg2[%dma_start3A_68, %dma_start3A_69] : memref<10000x128xf32, #tpu.memory_space<hbm>> -> memref<10000x128xf32, #tpu.memory_space<hbm>>
    %dma_start3A_71 = tpu.memref_slice %arg11[%dma_start3A_60] : memref<5x!tpu.dma_semaphore, #tpu.memory_space<semaphore_mem>> -> memref<1x!tpu.dma_semaphore, #tpu.memory_space<semaphore_mem>>
    %dma_start3A_72 = tpu.memref_squeeze %dma_start3A_71 : memref<1x!tpu.dma_semaphore, #tpu.memory_space<semaphore_mem>> -> memref<!tpu.dma_semaphore, #tpu.memory_space<semaphore_mem>>
    tpu.enqueue_indirect_dma source(%dma_start3A_70 : memref<10000x128xf32, #tpu.memory_space<hbm>>) target(%dma_start3A_64 : memref<64x128xf32, #tpu.memory_space<vmem>>) offsets(%dma_start3A_67 : memref<64xi32, #tpu.memory_space<vmem>>) semaphore(%dma_start3A_72 : memref<!tpu.dma_semaphore, #tpu.memory_space<semaphore_mem>>)
    %mul3A_73 = arith.constant 632 : i32
    %mul3A_74 = arith.muli %arg1, %mul3A_73 : i32
    %mul3A_75 = arith.constant 632 : i32
    %mul3A_76 = arith.muli %arg1, %mul3A_75 : i32
    %dma_wait3A = arith.constant 0 : i32
    %dma_wait3A_77 = tpu.memref_slice %arg10[%mul3A_76, %dma_wait3A] : memref<10112x128xf32, #tpu.memory_space<vmem_shared>> -> memref<632x128xf32, #tpu.memory_space<vmem_shared>>
    %dma_wait3A_78 = arith.constant 0 : i32
    %dma_wait3A_79 = tpu.memref_slice %arg5[%mul3A_74, %dma_wait3A_78] : memref<10112x128xf32, #tpu.memory_space<hbm>> -> memref<632x128xf32, #tpu.memory_space<hbm>>
    tpu.wait_dma2 semaphore(%arg14 : memref<!tpu.dma_semaphore, #tpu.memory_space<semaphore_mem>>) src(%dma_wait3A_79 : memref<632x128xf32, #tpu.memory_space<hbm>>) dst(%dma_wait3A_77 : memref<632x128xf32, #tpu.memory_space<vmem_shared>>)
    %barrier3A = arith.constant 0 : index
    tpu.barrier barrier_id(%barrier3A)
    %scan3A = arith.constant 0 : i32
    %scan3A_80 = arith.constant 0 : i32
    %scan3A_81 = arith.constant 10 : i32
    %scan3A_82 = arith.addi %scan3A_80, %scan3A_81 : i32
    %scan3A_83 = arith.constant 1 : i32
    scf.for %scan3A_106 = %scan3A_80 to %scan3A_82 step %scan3A_83  : i32 {
      %rem3A = arith.constant 2 : i32
      %rem3A_107 = arith.remsi %scan3A_106, %rem3A : i32
      %add3A_108 = arith.constant 1 : i32
      %add3A_109 = arith.addi %scan3A_106, %add3A_108 : i32
      %lt3A = arith.constant 10 : i32
      %lt3A_110 = arith.cmpi slt, %add3A_109, %lt3A : i32
      %convert_element_type3A = arith.extui %lt3A_110 : i1 to i32
      %cond3A = arith.constant 0 : i32
      %cond3A_111 = arith.cmpi ne, %convert_element_type3A, %cond3A : i32
      scf.if %cond3A_111 {
        %add3A_117 = arith.constant 1 : i32
        %add3A_118 = arith.addi %scan3A_106, %add3A_117 : i32
        %mul3A_119 = arith.constant 16 : i32
        %mul3A_120 = arith.muli %add3A_118, %mul3A_119 : i32
        %sub3A = arith.constant 1 : i32
        %sub3A_121 = arith.subi %sub3A, %rem3A_107 : i32
        %dma_start3A_122 = arith.constant 0 : i32
        %dma_start3A_123 = arith.constant 0 : i32
        %dma_start3A_124 = tpu.memref_slice %arg7[%sub3A_121, %dma_start3A_122, %dma_start3A_123] : memref<2x16x64xi32, #tpu.memory_space<vmem>> -> memref<1x16x64xi32, #tpu.memory_space<vmem>>
        %dma_start3A_125 = tpu.memref_squeeze %dma_start3A_124 : memref<1x16x64xi32, #tpu.memory_space<vmem>> -> memref<16x64xi32, #tpu.memory_space<vmem>>
        %dma_start3A_126 = arith.constant 0 : i32
        %dma_start3A_127 = tpu.memref_slice %arg3[%add3A, %mul3A_120, %dma_start3A_126] : memref<32x160x64xi32, #tpu.memory_space<hbm>> -> memref<1x16x64xi32, #tpu.memory_space<hbm>>
        %dma_start3A_128 = tpu.memref_squeeze %dma_start3A_127 : memref<1x16x64xi32, #tpu.memory_space<hbm>> -> memref<16x64xi32, #tpu.memory_space<hbm>>
        %dma_start3A_129 = arith.constant 0 : i32
        %dma_start3A_130 = arith.constant 0 : i32
        %dma_start3A_131 = tpu.memref_slice %arg7[%sub3A_121, %dma_start3A_129, %dma_start3A_130] : memref<2x16x64xi32, #tpu.memory_space<vmem>> -> memref<1x16x64xi32, #tpu.memory_space<vmem>>
        %dma_start3A_132 = tpu.memref_squeeze %dma_start3A_131 : memref<1x16x64xi32, #tpu.memory_space<vmem>> -> memref<16x64xi32, #tpu.memory_space<vmem>>
        %dma_start3A_133 = arith.constant 0 : i32
        %dma_start3A_134 = tpu.memref_slice %arg3[%add3A, %mul3A_120, %dma_start3A_133] : memref<32x160x64xi32, #tpu.memory_space<hbm>> -> memref<1x16x64xi32, #tpu.memory_space<hbm>>
        %dma_start3A_135 = tpu.memref_squeeze %dma_start3A_134 : memref<1x16x64xi32, #tpu.memory_space<hbm>> -> memref<16x64xi32, #tpu.memory_space<hbm>>
        tpu.enqueue_dma source(%dma_start3A_135 : memref<16x64xi32, #tpu.memory_space<hbm>>) target(%dma_start3A_132 : memref<16x64xi32, #tpu.memory_space<vmem>>) target_semaphore(%arg13 : memref<!tpu.dma_semaphore, #tpu.memory_space<semaphore_mem>>)
        %add3A_136 = arith.constant 1 : i32
        %add3A_137 = arith.addi %scan3A_106, %add3A_136 : i32
        %mul3A_138 = arith.constant 16 : i32
        %mul3A_139 = arith.muli %add3A_137, %mul3A_138 : i32
        %sub3A_140 = arith.constant 1 : i32
        %sub3A_141 = arith.subi %sub3A_140, %rem3A_107 : i32
        %dma_start3A_142 = arith.constant 0 : i32
        %dma_start3A_143 = arith.constant 0 : i32
        %dma_start3A_144 = tpu.memref_slice %arg8[%sub3A_141, %dma_start3A_142, %dma_start3A_143] : memref<2x16x64xi32, #tpu.memory_space<vmem>> -> memref<1x16x64xi32, #tpu.memory_space<vmem>>
        %dma_start3A_145 = tpu.memref_squeeze %dma_start3A_144 : memref<1x16x64xi32, #tpu.memory_space<vmem>> -> memref<16x64xi32, #tpu.memory_space<vmem>>
        %dma_start3A_146 = arith.constant 0 : i32
        %dma_start3A_147 = tpu.memref_slice %arg4[%add3A, %mul3A_139, %dma_start3A_146] : memref<32x160x64xi32, #tpu.memory_space<hbm>> -> memref<1x16x64xi32, #tpu.memory_space<hbm>>
        %dma_start3A_148 = tpu.memref_squeeze %dma_start3A_147 : memref<1x16x64xi32, #tpu.memory_space<hbm>> -> memref<16x64xi32, #tpu.memory_space<hbm>>
        %dma_start3A_149 = arith.constant 0 : i32
        %dma_start3A_150 = arith.constant 0 : i32
        %dma_start3A_151 = tpu.memref_slice %arg8[%sub3A_141, %dma_start3A_149, %dma_start3A_150] : memref<2x16x64xi32, #tpu.memory_space<vmem>> -> memref<1x16x64xi32, #tpu.memory_space<vmem>>
        %dma_start3A_152 = tpu.memref_squeeze %dma_start3A_151 : memref<1x16x64xi32, #tpu.memory_space<vmem>> -> memref<16x64xi32, #tpu.memory_space<vmem>>
        %dma_start3A_153 = arith.constant 0 : i32
        %dma_start3A_154 = tpu.memref_slice %arg4[%add3A, %mul3A_139, %dma_start3A_153] : memref<32x160x64xi32, #tpu.memory_space<hbm>> -> memref<1x16x64xi32, #tpu.memory_space<hbm>>
        %dma_start3A_155 = tpu.memref_squeeze %dma_start3A_154 : memref<1x16x64xi32, #tpu.memory_space<hbm>> -> memref<16x64xi32, #tpu.memory_space<hbm>>
        tpu.enqueue_dma source(%dma_start3A_155 : memref<16x64xi32, #tpu.memory_space<hbm>>) target(%dma_start3A_152 : memref<16x64xi32, #tpu.memory_space<vmem>>) target_semaphore(%arg13 : memref<!tpu.dma_semaphore, #tpu.memory_space<semaphore_mem>>)
      } else {
      }
      %scan3A_112 = arith.constant 0 : i32
      %scan3A_113 = arith.constant 16 : i32
      %scan3A_114 = arith.addi %scan3A_112, %scan3A_113 : i32
      %scan3A_115 = arith.constant 1 : i32
      scf.for %scan3A_117 = %scan3A_112 to %scan3A_114 step %scan3A_115  : i32 {
        %mul3A_118 = arith.constant 16 : i32
        %mul3A_119 = arith.muli %scan3A_106, %mul3A_118 : i32
        %add3A_120 = arith.addi %mul3A_119, %scan3A_117 : i32
        %rem3A_121 = arith.constant 5 : i32
        %rem3A_122 = arith.remsi %add3A_120, %rem3A_121 : i32
        %add3A_123 = arith.constant 4 : i32
        %add3A_124 = arith.addi %scan3A_117, %add3A_123 : i32
        %ge3A = arith.constant 1 : i32
        %ge3A_125 = arith.cmpi sge, %add3A_120, %ge3A : i32
        %convert_element_type3A_126 = arith.extui %ge3A_125 : i1 to i32
        %cond3A_127 = arith.constant 0 : i32
        %cond3A_128 = arith.cmpi ne, %convert_element_type3A_126, %cond3A_127 : i32
        scf.if %cond3A_128 {
          %sub3A = arith.constant 1 : i32
          %sub3A_180 = arith.subi %add3A_120, %sub3A : i32
          %rem3A_181 = arith.constant 5 : i32
          %rem3A_182 = arith.remsi %sub3A_180, %rem3A_181 : i32
          %sub3A_183 = arith.constant 1 : i32
          %sub3A_184 = arith.subi %add3A_120, %sub3A_183 : i32
          %rem3A_185 = arith.constant 5 : i32
          %rem3A_186 = arith.remsi %sub3A_184, %rem3A_185 : i32
          %dma_wait3A_187 = arith.constant 0 : i32
          %dma_wait3A_188 = arith.constant 0 : i32
          %dma_wait3A_189 = tpu.memref_slice %arg9[%rem3A_182, %dma_wait3A_187, %dma_wait3A_188] : memref<5x64x128xf32, #tpu.memory_space<vmem>> -> memref<1x64x128xf32, #tpu.memory_space<vmem>>
          %dma_wait3A_190 = tpu.memref_squeeze %dma_wait3A_189 : memref<1x64x128xf32, #tpu.memory_space<vmem>> -> memref<64x128xf32, #tpu.memory_space<vmem>>
          %dma_wait3A_191 = arith.constant 0 : i32
          %dma_wait3A_192 = tpu.memref_slice %arg8[%rem3A_107, %scan3A_117, %dma_wait3A_191] : memref<2x16x64xi32, #tpu.memory_space<vmem>> -> memref<1x1x64xi32, #tpu.memory_space<vmem>>
          %dma_wait3A_193 = tpu.memref_squeeze %dma_wait3A_192 : memref<1x1x64xi32, #tpu.memory_space<vmem>> -> memref<64xi32, #tpu.memory_space<vmem>>
          %dma_wait3A_194 = arith.constant 0 : i32
          %dma_wait3A_195 = arith.constant 0 : i32
          %dma_wait3A_196 = tpu.memref_slice %arg10[%dma_wait3A_194, %dma_wait3A_195] : memref<10112x128xf32, #tpu.memory_space<vmem_shared>> -> memref<10112x128xf32, #tpu.memory_space<vmem_shared>>
          %dma_wait3A_197 = tpu.memref_slice %arg12[%rem3A_186] : memref<5x!tpu.dma_semaphore, #tpu.memory_space<semaphore_mem>> -> memref<1x!tpu.dma_semaphore, #tpu.memory_space<semaphore_mem>>
          %dma_wait3A_198 = tpu.memref_squeeze %dma_wait3A_197 : memref<1x!tpu.dma_semaphore, #tpu.memory_space<semaphore_mem>> -> memref<!tpu.dma_semaphore, #tpu.memory_space<semaphore_mem>>
          tpu.wait_indirect_dma semaphore(%dma_wait3A_198 : memref<!tpu.dma_semaphore, #tpu.memory_space<semaphore_mem>>) src(%dma_wait3A_190 : memref<64x128xf32, #tpu.memory_space<vmem>>) dst(%dma_wait3A_196 : memref<10112x128xf32, #tpu.memory_space<vmem_shared>>)
        } else {
        }
        %eq3A = arith.constant 16 : i32
        %eq3A_129 = arith.cmpi eq, %add3A_124, %eq3A : i32
        %add3A_130 = arith.constant 1 : i32
        %add3A_131 = arith.addi %scan3A_106, %add3A_130 : i32
        %lt3A_132 = arith.constant 10 : i32
        %lt3A_133 = arith.cmpi slt, %add3A_131, %lt3A_132 : i32
        %and3A = arith.andi %eq3A_129, %lt3A_133 : i1
        %convert_element_type3A_134 = arith.extui %and3A : i1 to i32
        %cond3A_135 = arith.constant 0 : i32
        %cond3A_136 = arith.cmpi ne, %convert_element_type3A_134, %cond3A_135 : i32
        scf.if %cond3A_136 {
          %add3A_180 = arith.constant 1 : i32
          %add3A_181 = arith.addi %scan3A_106, %add3A_180 : i32
          %mul3A_182 = arith.constant 16 : i32
          %mul3A_183 = arith.muli %add3A_181, %mul3A_182 : i32
          %sub3A = arith.constant 1 : i32
          %sub3A_184 = arith.subi %sub3A, %rem3A_107 : i32
          %dma_wait3A_185 = arith.constant 0 : i32
          %dma_wait3A_186 = arith.constant 0 : i32
          %dma_wait3A_187 = tpu.memref_slice %arg7[%sub3A_184, %dma_wait3A_185, %dma_wait3A_186] : memref<2x16x64xi32, #tpu.memory_space<vmem>> -> memref<1x16x64xi32, #tpu.memory_space<vmem>>
          %dma_wait3A_188 = tpu.memref_squeeze %dma_wait3A_187 : memref<1x16x64xi32, #tpu.memory_space<vmem>> -> memref<16x64xi32, #tpu.memory_space<vmem>>
          %dma_wait3A_189 = arith.constant 0 : i32
          %dma_wait3A_190 = tpu.memref_slice %arg3[%add3A, %mul3A_183, %dma_wait3A_189] : memref<32x160x64xi32, #tpu.memory_space<hbm>> -> memref<1x16x64xi32, #tpu.memory_space<hbm>>
          %dma_wait3A_191 = tpu.memref_squeeze %dma_wait3A_190 : memref<1x16x64xi32, #tpu.memory_space<hbm>> -> memref<16x64xi32, #tpu.memory_space<hbm>>
          %dma_wait3A_192 = arith.constant 0 : i32
          %dma_wait3A_193 = arith.constant 0 : i32
          %dma_wait3A_194 = tpu.memref_slice %arg7[%sub3A_184, %dma_wait3A_192, %dma_wait3A_193] : memref<2x16x64xi32, #tpu.memory_space<vmem>> -> memref<1x16x64xi32, #tpu.memory_space<vmem>>
          %dma_wait3A_195 = tpu.memref_squeeze %dma_wait3A_194 : memref<1x16x64xi32, #tpu.memory_space<vmem>> -> memref<16x64xi32, #tpu.memory_space<vmem>>
          %dma_wait3A_196 = arith.constant 0 : i32
          %dma_wait3A_197 = tpu.memref_slice %arg3[%add3A, %mul3A_183, %dma_wait3A_196] : memref<32x160x64xi32, #tpu.memory_space<hbm>> -> memref<1x16x64xi32, #tpu.memory_space<hbm>>
          %dma_wait3A_198 = tpu.memref_squeeze %dma_wait3A_197 : memref<1x16x64xi32, #tpu.memory_space<hbm>> -> memref<16x64xi32, #tpu.memory_space<hbm>>
          tpu.wait_dma2 semaphore(%arg13 : memref<!tpu.dma_semaphore, #tpu.memory_space<semaphore_mem>>) src(%dma_wait3A_198 : memref<16x64xi32, #tpu.memory_space<hbm>>) dst(%dma_wait3A_195 : memref<16x64xi32, #tpu.memory_space<vmem>>)
          %add3A_199 = arith.constant 1 : i32
          %add3A_200 = arith.addi %scan3A_106, %add3A_199 : i32
          %mul3A_201 = arith.constant 16 : i32
          %mul3A_202 = arith.muli %add3A_200, %mul3A_201 : i32
          %sub3A_203 = arith.constant 1 : i32
          %sub3A_204 = arith.subi %sub3A_203, %rem3A_107 : i32
          %dma_wait3A_205 = arith.constant 0 : i32
          %dma_wait3A_206 = arith.constant 0 : i32
          %dma_wait3A_207 = tpu.memref_slice %arg8[%sub3A_204, %dma_wait3A_205, %dma_wait3A_206] : memref<2x16x64xi32, #tpu.memory_space<vmem>> -> memref<1x16x64xi32, #tpu.memory_space<vmem>>
          %dma_wait3A_208 = tpu.memref_squeeze %dma_wait3A_207 : memref<1x16x64xi32, #tpu.memory_space<vmem>> -> memref<16x64xi32, #tpu.memory_space<vmem>>
          %dma_wait3A_209 = arith.constant 0 : i32
          %dma_wait3A_210 = tpu.memref_slice %arg4[%add3A, %mul3A_202, %dma_wait3A_209] : memref<32x160x64xi32, #tpu.memory_space<hbm>> -> memref<1x16x64xi32, #tpu.memory_space<hbm>>
          %dma_wait3A_211 = tpu.memref_squeeze %dma_wait3A_210 : memref<1x16x64xi32, #tpu.memory_space<hbm>> -> memref<16x64xi32, #tpu.memory_space<hbm>>
          %dma_wait3A_212 = arith.constant 0 : i32
          %dma_wait3A_213 = arith.constant 0 : i32
          %dma_wait3A_214 = tpu.memref_slice %arg8[%sub3A_204, %dma_wait3A_212, %dma_wait3A_213] : memref<2x16x64xi32, #tpu.memory_space<vmem>> -> memref<1x16x64xi32, #tpu.memory_space<vmem>>
          %dma_wait3A_215 = tpu.memref_squeeze %dma_wait3A_214 : memref<1x16x64xi32, #tpu.memory_space<vmem>> -> memref<16x64xi32, #tpu.memory_space<vmem>>
          %dma_wait3A_216 = arith.constant 0 : i32
          %dma_wait3A_217 = tpu.memref_slice %arg4[%add3A, %mul3A_202, %dma_wait3A_216] : memref<32x160x64xi32, #tpu.memory_space<hbm>> -> memref<1x16x64xi32, #tpu.memory_space<hbm>>
          %dma_wait3A_218 = tpu.memref_squeeze %dma_wait3A_217 : memref<1x16x64xi32, #tpu.memory_space<hbm>> -> memref<16x64xi32, #tpu.memory_space<hbm>>
          tpu.wait_dma2 semaphore(%arg13 : memref<!tpu.dma_semaphore, #tpu.memory_space<semaphore_mem>>) src(%dma_wait3A_218 : memref<16x64xi32, #tpu.memory_space<hbm>>) dst(%dma_wait3A_215 : memref<16x64xi32, #tpu.memory_space<vmem>>)
        } else {
        }
        %add3A_137 = arith.constant 4 : i32
        %add3A_138 = arith.addi %add3A_120, %add3A_137 : i32
        %rem3A_139 = arith.constant 5 : i32
        %rem3A_140 = arith.remsi %add3A_138, %rem3A_139 : i32
        %lt3A_141 = arith.constant 16 : i32
        %lt3A_142 = arith.cmpi slt, %add3A_124, %lt3A_141 : i32
        %convert_element_type3A_143 = arith.extui %lt3A_142 : i1 to i32
        %cond3A_144 = arith.constant 0 : i32
        %cond3A_145 = arith.cmpi ne, %convert_element_type3A_143, %cond3A_144 : i32
        scf.if %cond3A_145 {
          %dma_start3A_180 = arith.constant 0 : i32
          %dma_start3A_181 = arith.constant 0 : i32
          %dma_start3A_182 = tpu.memref_slice %arg9[%rem3A_140, %dma_start3A_180, %dma_start3A_181] : memref<5x64x128xf32, #tpu.memory_space<vmem>> -> memref<1x64x128xf32, #tpu.memory_space<vmem>>
          %dma_start3A_183 = tpu.memref_squeeze %dma_start3A_182 : memref<1x64x128xf32, #tpu.memory_space<vmem>> -> memref<64x128xf32, #tpu.memory_space<vmem>>
          %dma_start3A_184 = arith.constant 0 : i32
          %dma_start3A_185 = tpu.memref_slice %arg7[%rem3A_107, %add3A_124, %dma_start3A_184] : memref<2x16x64xi32, #tpu.memory_space<vmem>> -> memref<1x1x64xi32, #tpu.memory_space<vmem>>
          %dma_start3A_186 = tpu.memref_squeeze %dma_start3A_185 : memref<1x1x64xi32, #tpu.memory_space<vmem>> -> memref<64xi32, #tpu.memory_space<vmem>>
          %dma_start3A_187 = arith.constant 0 : i32
          %dma_start3A_188 = arith.constant 0 : i32
          %dma_start3A_189 = tpu.memref_slice %arg2[%dma_start3A_187, %dma_start3A_188] : memref<10000x128xf32, #tpu.memory_space<hbm>> -> memref<10000x128xf32, #tpu.memory_space<hbm>>
          %dma_start3A_190 = tpu.memref_slice %arg11[%rem3A_140] : memref<5x!tpu.dma_semaphore, #tpu.memory_space<semaphore_mem>> -> memref<1x!tpu.dma_semaphore, #tpu.memory_space<semaphore_mem>>
          %dma_start3A_191 = tpu.memref_squeeze %dma_start3A_190 : memref<1x!tpu.dma_semaphore, #tpu.memory_space<semaphore_mem>> -> memref<!tpu.dma_semaphore, #tpu.memory_space<semaphore_mem>>
          tpu.enqueue_indirect_dma source(%dma_start3A_189 : memref<10000x128xf32, #tpu.memory_space<hbm>>) target(%dma_start3A_183 : memref<64x128xf32, #tpu.memory_space<vmem>>) offsets(%dma_start3A_186 : memref<64xi32, #tpu.memory_space<vmem>>) semaphore(%dma_start3A_191 : memref<!tpu.dma_semaphore, #tpu.memory_space<semaphore_mem>>)
        } else {
        }
        %ge3A_146 = arith.constant 16 : i32
        %ge3A_147 = arith.cmpi sge, %add3A_124, %ge3A_146 : i32
        %add3A_148 = arith.constant 1 : i32
        %add3A_149 = arith.addi %scan3A_106, %add3A_148 : i32
        %lt3A_150 = arith.constant 10 : i32
        %lt3A_151 = arith.cmpi slt, %add3A_149, %lt3A_150 : i32
        %and3A_152 = arith.andi %ge3A_147, %lt3A_151 : i1
        %convert_element_type3A_153 = arith.extui %and3A_152 : i1 to i32
        %cond3A_154 = arith.constant 0 : i32
        %cond3A_155 = arith.cmpi ne, %convert_element_type3A_153, %cond3A_154 : i32
        scf.if %cond3A_155 {
          %sub3A = arith.constant 1 : i32
          %sub3A_180 = arith.subi %sub3A, %rem3A_107 : i32
          %sub3A_181 = arith.constant 16 : i32
          %sub3A_182 = arith.subi %add3A_124, %sub3A_181 : i32
          %dma_start3A_183 = arith.constant 0 : i32
          %dma_start3A_184 = arith.constant 0 : i32
          %dma_start3A_185 = tpu.memref_slice %arg9[%rem3A_140, %dma_start3A_183, %dma_start3A_184] : memref<5x64x128xf32, #tpu.memory_space<vmem>> -> memref<1x64x128xf32, #tpu.memory_space<vmem>>
          %dma_start3A_186 = tpu.memref_squeeze %dma_start3A_185 : memref<1x64x128xf32, #tpu.memory_space<vmem>> -> memref<64x128xf32, #tpu.memory_space<vmem>>
          %dma_start3A_187 = arith.constant 0 : i32
          %dma_start3A_188 = tpu.memref_slice %arg7[%sub3A_180, %sub3A_182, %dma_start3A_187] : memref<2x16x64xi32, #tpu.memory_space<vmem>> -> memref<1x1x64xi32, #tpu.memory_space<vmem>>
          %dma_start3A_189 = tpu.memref_squeeze %dma_start3A_188 : memref<1x1x64xi32, #tpu.memory_space<vmem>> -> memref<64xi32, #tpu.memory_space<vmem>>
          %dma_start3A_190 = arith.constant 0 : i32
          %dma_start3A_191 = arith.constant 0 : i32
          %dma_start3A_192 = tpu.memref_slice %arg2[%dma_start3A_190, %dma_start3A_191] : memref<10000x128xf32, #tpu.memory_space<hbm>> -> memref<10000x128xf32, #tpu.memory_space<hbm>>
          %dma_start3A_193 = tpu.memref_slice %arg11[%rem3A_140] : memref<5x!tpu.dma_semaphore, #tpu.memory_space<semaphore_mem>> -> memref<1x!tpu.dma_semaphore, #tpu.memory_space<semaphore_mem>>
          %dma_start3A_194 = tpu.memref_squeeze %dma_start3A_193 : memref<1x!tpu.dma_semaphore, #tpu.memory_space<semaphore_mem>> -> memref<!tpu.dma_semaphore, #tpu.memory_space<semaphore_mem>>
          tpu.enqueue_indirect_dma source(%dma_start3A_192 : memref<10000x128xf32, #tpu.memory_space<hbm>>) target(%dma_start3A_186 : memref<64x128xf32, #tpu.memory_space<vmem>>) offsets(%dma_start3A_189 : memref<64xi32, #tpu.memory_space<vmem>>) semaphore(%dma_start3A_194 : memref<!tpu.dma_semaphore, #tpu.memory_space<semaphore_mem>>)
        } else {
        }
        %dma_wait3A_156 = arith.constant 0 : i32
        %dma_wait3A_157 = arith.constant 0 : i32
        %dma_wait3A_158 = tpu.memref_slice %arg9[%rem3A_122, %dma_wait3A_156, %dma_wait3A_157] : memref<5x64x128xf32, #tpu.memory_space<vmem>> -> memref<1x64x128xf32, #tpu.memory_space<vmem>>
        %dma_wait3A_159 = tpu.memref_squeeze %dma_wait3A_158 : memref<1x64x128xf32, #tpu.memory_space<vmem>> -> memref<64x128xf32, #tpu.memory_space<vmem>>
        %dma_wait3A_160 = arith.constant 0 : i32
        %dma_wait3A_161 = tpu.memref_slice %arg7[%rem3A_107, %scan3A_117, %dma_wait3A_160] : memref<2x16x64xi32, #tpu.memory_space<vmem>> -> memref<1x1x64xi32, #tpu.memory_space<vmem>>
        %dma_wait3A_162 = tpu.memref_squeeze %dma_wait3A_161 : memref<1x1x64xi32, #tpu.memory_space<vmem>> -> memref<64xi32, #tpu.memory_space<vmem>>
        %dma_wait3A_163 = arith.constant 0 : i32
        %dma_wait3A_164 = arith.constant 0 : i32
        %dma_wait3A_165 = tpu.memref_slice %arg2[%dma_wait3A_163, %dma_wait3A_164] : memref<10000x128xf32, #tpu.memory_space<hbm>> -> memref<10000x128xf32, #tpu.memory_space<hbm>>
        %dma_wait3A_166 = tpu.memref_slice %arg11[%rem3A_122] : memref<5x!tpu.dma_semaphore, #tpu.memory_space<semaphore_mem>> -> memref<1x!tpu.dma_semaphore, #tpu.memory_space<semaphore_mem>>
        %dma_wait3A_167 = tpu.memref_squeeze %dma_wait3A_166 : memref<1x!tpu.dma_semaphore, #tpu.memory_space<semaphore_mem>> -> memref<!tpu.dma_semaphore, #tpu.memory_space<semaphore_mem>>
        tpu.wait_indirect_dma semaphore(%dma_wait3A_167 : memref<!tpu.dma_semaphore, #tpu.memory_space<semaphore_mem>>) src(%dma_wait3A_165 : memref<10000x128xf32, #tpu.memory_space<hbm>>) dst(%dma_wait3A_159 : memref<64x128xf32, #tpu.memory_space<vmem>>)
        %dma_start3A_168 = arith.constant 0 : i32
        %dma_start3A_169 = arith.constant 0 : i32
        %dma_start3A_170 = tpu.memref_slice %arg9[%rem3A_122, %dma_start3A_168, %dma_start3A_169] : memref<5x64x128xf32, #tpu.memory_space<vmem>> -> memref<1x64x128xf32, #tpu.memory_space<vmem>>
        %dma_start3A_171 = tpu.memref_squeeze %dma_start3A_170 : memref<1x64x128xf32, #tpu.memory_space<vmem>> -> memref<64x128xf32, #tpu.memory_space<vmem>>
        %dma_start3A_172 = arith.constant 0 : i32
        %dma_start3A_173 = tpu.memref_slice %arg8[%rem3A_107, %scan3A_117, %dma_start3A_172] : memref<2x16x64xi32, #tpu.memory_space<vmem>> -> memref<1x1x64xi32, #tpu.memory_space<vmem>>
        %dma_start3A_174 = tpu.memref_squeeze %dma_start3A_173 : memref<1x1x64xi32, #tpu.memory_space<vmem>> -> memref<64xi32, #tpu.memory_space<vmem>>
        %dma_start3A_175 = arith.constant 0 : i32
        %dma_start3A_176 = arith.constant 0 : i32
        %dma_start3A_177 = tpu.memref_slice %arg10[%dma_start3A_175, %dma_start3A_176] : memref<10112x128xf32, #tpu.memory_space<vmem_shared>> -> memref<10112x128xf32, #tpu.memory_space<vmem_shared>>
        %dma_start3A_178 = tpu.memref_slice %arg12[%rem3A_122] : memref<5x!tpu.dma_semaphore, #tpu.memory_space<semaphore_mem>> -> memref<1x!tpu.dma_semaphore, #tpu.memory_space<semaphore_mem>>
        %dma_start3A_179 = tpu.memref_squeeze %dma_start3A_178 : memref<1x!tpu.dma_semaphore, #tpu.memory_space<semaphore_mem>> -> memref<!tpu.dma_semaphore, #tpu.memory_space<semaphore_mem>>
        tpu.enqueue_indirect_dma source(%dma_start3A_171 : memref<64x128xf32, #tpu.memory_space<vmem>>) target(%dma_start3A_177 : memref<10112x128xf32, #tpu.memory_space<vmem_shared>>) offsets(%dma_start3A_174 : memref<64xi32, #tpu.memory_space<vmem>>) semaphore(%dma_start3A_179 : memref<!tpu.dma_semaphore, #tpu.memory_space<semaphore_mem>>) {add = true}
      }
      %scan3A_116 = arith.constant 16 : i32
    }
    %scan3A_84 = arith.constant 10 : i32
    %dma_wait3A_85 = arith.constant 4 : i32
    %dma_wait3A_86 = arith.constant 1 : i32
    %dma_wait3A_87 = arith.constant 15 : i32
    %dma_wait3A_88 = arith.constant 4 : i32
    %dma_wait3A_89 = arith.constant 0 : i32
    %dma_wait3A_90 = arith.constant 0 : i32
    %dma_wait3A_91 = tpu.memref_slice %arg9[%dma_wait3A_85, %dma_wait3A_89, %dma_wait3A_90] : memref<5x64x128xf32, #tpu.memory_space<vmem>> -> memref<1x64x128xf32, #tpu.memory_space<vmem>>
    %dma_wait3A_92 = tpu.memref_squeeze %dma_wait3A_91 : memref<1x64x128xf32, #tpu.memory_space<vmem>> -> memref<64x128xf32, #tpu.memory_space<vmem>>
    %dma_wait3A_93 = arith.constant 0 : i32
    %dma_wait3A_94 = tpu.memref_slice %arg8[%dma_wait3A_86, %dma_wait3A_87, %dma_wait3A_93] : memref<2x16x64xi32, #tpu.memory_space<vmem>> -> memref<1x1x64xi32, #tpu.memory_space<vmem>>
    %dma_wait3A_95 = tpu.memref_squeeze %dma_wait3A_94 : memref<1x1x64xi32, #tpu.memory_space<vmem>> -> memref<64xi32, #tpu.memory_space<vmem>>
    %dma_wait3A_96 = arith.constant 0 : i32
    %dma_wait3A_97 = arith.constant 0 : i32
    %dma_wait3A_98 = tpu.memref_slice %arg10[%dma_wait3A_96, %dma_wait3A_97] : memref<10112x128xf32, #tpu.memory_space<vmem_shared>> -> memref<10112x128xf32, #tpu.memory_space<vmem_shared>>
    %dma_wait3A_99 = tpu.memref_slice %arg12[%dma_wait3A_88] : memref<5x!tpu.dma_semaphore, #tpu.memory_space<semaphore_mem>> -> memref<1x!tpu.dma_semaphore, #tpu.memory_space<semaphore_mem>>
    %dma_wait3A_100 = tpu.memref_squeeze %dma_wait3A_99 : memref<1x!tpu.dma_semaphore, #tpu.memory_space<semaphore_mem>> -> memref<!tpu.dma_semaphore, #tpu.memory_space<semaphore_mem>>
    tpu.wait_indirect_dma semaphore(%dma_wait3A_100 : memref<!tpu.dma_semaphore, #tpu.memory_space<semaphore_mem>>) src(%dma_wait3A_92 : memref<64x128xf32, #tpu.memory_space<vmem>>) dst(%dma_wait3A_98 : memref<10112x128xf32, #tpu.memory_space<vmem_shared>>)
    %barrier3A_101 = arith.constant 0 : index
    tpu.barrier barrier_id(%barrier3A_101)
    %mul3A_102 = arith.constant 632 : i32
    %mul3A_103 = arith.muli %arg1, %mul3A_102 : i32
    %mul3A_104 = arith.constant 632 : i32
    %mul3A_105 = arith.muli %arg1, %mul3A_104 : i32
    "tpu.region"() ({
      %run_scoped3A_106 = tpu.sem_alloc : memref<!tpu.dma_semaphore, #tpu.memory_space<semaphore_mem>>
      %dma_start3A_107 = arith.constant 0 : i32
      %dma_start3A_108 = tpu.memref_slice %arg6[%arg0, %mul3A_105, %dma_start3A_107] : memref<2x10112x128xf32, #tpu.memory_space<hbm>> -> memref<1x632x128xf32, #tpu.memory_space<hbm>>
      %dma_start3A_109 = tpu.memref_squeeze %dma_start3A_108 : memref<1x632x128xf32, #tpu.memory_space<hbm>> -> memref<632x128xf32, #tpu.memory_space<hbm>>
      %dma_start3A_110 = arith.constant 0 : i32
      %dma_start3A_111 = tpu.memref_slice %arg10[%mul3A_103, %dma_start3A_110] : memref<10112x128xf32, #tpu.memory_space<vmem_shared>> -> memref<632x128xf32, #tpu.memory_space<vmem_shared>>
      tpu.enqueue_dma source(%dma_start3A_111 : memref<632x128xf32, #tpu.memory_space<vmem_shared>>) target(%dma_start3A_109 : memref<632x128xf32, #tpu.memory_space<hbm>>) target_semaphore(%run_scoped3A_106 : memref<!tpu.dma_semaphore, #tpu.memory_space<semaphore_mem>>)
      %dma_wait3A_112 = arith.constant 0 : i32
      %dma_wait3A_113 = tpu.memref_slice %arg6[%arg0, %mul3A_105, %dma_wait3A_112] : memref<2x10112x128xf32, #tpu.memory_space<hbm>> -> memref<1x632x128xf32, #tpu.memory_space<hbm>>
      %dma_wait3A_114 = tpu.memref_squeeze %dma_wait3A_113 : memref<1x632x128xf32, #tpu.memory_space<hbm>> -> memref<632x128xf32, #tpu.memory_space<hbm>>
      %dma_wait3A_115 = arith.constant 0 : i32
      %dma_wait3A_116 = tpu.memref_slice %arg10[%mul3A_103, %dma_wait3A_115] : memref<10112x128xf32, #tpu.memory_space<vmem_shared>> -> memref<632x128xf32, #tpu.memory_space<vmem_shared>>
      tpu.wait_dma2 semaphore(%run_scoped3A_106 : memref<!tpu.dma_semaphore, #tpu.memory_space<semaphore_mem>>) src(%dma_wait3A_116 : memref<632x128xf32, #tpu.memory_space<vmem_shared>>) dst(%dma_wait3A_114 : memref<632x128xf32, #tpu.memory_space<hbm>>)
      tpu.yield
    }) : () -> ()
    return
  }
}

module attributes {stable_mosaic.version = 14 : i64} {
  func.func @_tc1_body(%arg0: memref<32x10112xf32, #tpu.memory_space<vmem>>, %arg1: memref<10000x128xf32, #tpu.memory_space<vmem>>, %arg2: memref<128x128xf32, #tpu.memory_space<vmem>>, %arg3: memref<10000x128xf32, #tpu.memory_space<vmem>>, %arg4: memref<10112x1xf32, #tpu.memory_space<vmem>>) attributes {dimension_semantics = [], scalar_prefetch = 0 : i64, scratch_operands = 0 : i64, tpu.core_type = #tpu.core_type<tc>} {
    %get3A = arith.constant 0 : index
    %get3A_0 = arith.constant 0 : index
    %get3A_1 = vector.load %arg0[%get3A, %get3A_0] : memref<32x10112xf32, #tpu.memory_space<vmem>>, vector<32x10112xf32>
    %reduce_sum3A = arith.constant dense<0.000000e+00> : vector<10112xf32>
    %reduce_sum3A_2 = vector.multi_reduction <add>, %get3A_1, %reduce_sum3A [0] : vector<32x10112xf32> to vector<10112xf32>
    %add3A = arith.constant 1.000000e+00 : f32
    %add3A_3 = vector.broadcast %add3A : f32 to vector<10112xf32>
    %add3A_4 = arith.addf %reduce_sum3A_2, %add3A_3 : vector<10112xf32>
    %rsqrt3A = math.rsqrt %add3A_4 : vector<10112xf32>
    %broadcast_in_dim3A = vector.shape_cast %rsqrt3A : vector<10112xf32> to vector<10112x1xf32>
    %get3A_5 = arith.constant 0 : index
    %get3A_6 = arith.constant 0 : index
    %get3A_7 = vector.load %arg1[%get3A_5, %get3A_6] : memref<10000x128xf32, #tpu.memory_space<vmem>>, vector<10000x128xf32>
    %get3A_8 = arith.constant 0 : index
    %get3A_9 = arith.constant 0 : index
    %get3A_10 = vector.load %arg2[%get3A_8, %get3A_9] : memref<128x128xf32, #tpu.memory_space<vmem>>, vector<128x128xf32>
    %dot_general3A = arith.constant dense<0.000000e+00> : vector<10000x128xf32>
    %dot_general3A_11 = tpu.matmul %get3A_7, %get3A_10, %dot_general3A {dimension_numbers = #tpu.dot_dimension_numbers<[1], [0], [0], [1], [0, 0, 1, 1], [], []>, transpose_lhs_hint = false} : vector<10000x128xf32>, vector<128x128xf32>, vector<10000x128xf32> -> vector<10000x128xf32>
    %slice3A = vector.extract_strided_slice %broadcast_in_dim3A {offsets = [0, 0], sizes = [10000, 1], strides = [1, 1]} : vector<10112x1xf32> to vector<10000x1xf32>
    %mul3A = vector.broadcast %slice3A : vector<10000x1xf32> to vector<10000x128xf32>
    %mul3A_12 = arith.mulf %dot_general3A_11, %mul3A : vector<10000x128xf32>
    %swap3A = arith.constant 0 : index
    %swap3A_13 = arith.constant 0 : index
    %swap3A_14 = vector.load %arg3[%swap3A, %swap3A_13] : memref<10000x128xf32, #tpu.memory_space<vmem>>, vector<10000x128xf32>
    tpu.vector_store %arg3[%swap3A, %swap3A_13], %mul3A_12 {strides = array<i32>} : memref<10000x128xf32, #tpu.memory_space<vmem>>, vector<10000x128xf32>,
    %swap3A_15 = arith.constant 0 : index
    %swap3A_16 = arith.constant 0 : index
    %swap3A_17 = vector.load %arg4[%swap3A_15, %swap3A_16] : memref<10112x1xf32, #tpu.memory_space<vmem>>, vector<10112x1xf32>
    tpu.vector_store %arg4[%swap3A_15, %swap3A_16], %broadcast_in_dim3A {strides = array<i32>} : memref<10112x1xf32, #tpu.memory_space<vmem>>, vector<10112x1xf32>,
    return
  }
}

module attributes {stable_mosaic.version = 14 : i64} {
  func.func @_tc2_body(%arg0: memref<2x10112x128xf32, #tpu.memory_space<vmem>>, %arg1: memref<10000x128xf32, #tpu.memory_space<vmem>>, %arg2: memref<10112x1xf32, #tpu.memory_space<vmem>>, %arg3: memref<128x128xf32, #tpu.memory_space<vmem>>, %arg4: memref<128xf32, #tpu.memory_space<vmem>>, %arg5: memref<128xf32, #tpu.memory_space<vmem>>, %arg6: memref<10000x128xf32, #tpu.memory_space<vmem>>) attributes {dimension_semantics = [], scalar_prefetch = 0 : i64, scratch_operands = 0 : i64, tpu.core_type = #tpu.core_type<tc>} {
    %get3A = arith.constant 0 : index
    %get3A_0 = arith.constant 0 : index
    %get3A_1 = vector.load %arg2[%get3A, %get3A_0] : memref<10112x1xf32, #tpu.memory_space<vmem>>, vector<10112x1xf32>
    %slice3A = vector.extract_strided_slice %get3A_1 {offsets = [0, 0], sizes = [10000, 1], strides = [1, 1]} : vector<10112x1xf32> to vector<10000x1xf32>
    %get3A_2 = arith.constant 0 : index
    %get3A_3 = arith.constant 0 : index
    %get3A_4 = arith.constant 0 : index
    %get3A_5 = vector.load %arg0[%get3A_2, %get3A_3, %get3A_4] : memref<2x10112x128xf32, #tpu.memory_space<vmem>>, vector<1x10000x128xf32>
    %get3A_6 = vector.shape_cast %get3A_5 : vector<1x10000x128xf32> to vector<10000x128xf32>
    %get3A_7 = arith.constant 1 : index
    %get3A_8 = arith.constant 0 : index
    %get3A_9 = arith.constant 0 : index
    %get3A_10 = vector.load %arg0[%get3A_7, %get3A_8, %get3A_9] : memref<2x10112x128xf32, #tpu.memory_space<vmem>>, vector<1x10000x128xf32>
    %get3A_11 = vector.shape_cast %get3A_10 : vector<1x10000x128xf32> to vector<10000x128xf32>
    %add3A = arith.addf %get3A_6, %get3A_11 : vector<10000x128xf32>
    %get3A_12 = arith.constant 0 : index
    %get3A_13 = arith.constant 0 : index
    %get3A_14 = vector.load %arg1[%get3A_12, %get3A_13] : memref<10000x128xf32, #tpu.memory_space<vmem>>, vector<10000x128xf32>
    %add3A_15 = arith.addf %add3A, %get3A_14 : vector<10000x128xf32>
    %mul3A = vector.broadcast %slice3A : vector<10000x1xf32> to vector<10000x128xf32>
    %mul3A_16 = arith.mulf %add3A_15, %mul3A : vector<10000x128xf32>
    %reduce_sum3A = arith.constant dense<0.000000e+00> : vector<128xf32>
    %reduce_sum3A_17 = vector.multi_reduction <add>, %mul3A_16, %reduce_sum3A [0] : vector<10000x128xf32> to vector<128xf32>
    %div3A = arith.constant 1.000000e+04 : f32
    %div3A_18 = vector.broadcast %div3A : f32 to vector<128xf32>
    %div3A_19 = arith.divf %reduce_sum3A_17, %div3A_18 : vector<128xf32>
    %broadcast_in_dim3A = vector.shape_cast %div3A_19 : vector<128xf32> to vector<1x128xf32>
    %sub3A = vector.broadcast %broadcast_in_dim3A : vector<1x128xf32> to vector<10000x128xf32>
    %sub3A_20 = arith.subf %mul3A_16, %sub3A : vector<10000x128xf32>
    %integer_pow3A = arith.mulf %sub3A_20, %sub3A_20 : vector<10000x128xf32>
    %reduce_sum3A_21 = arith.constant dense<0.000000e+00> : vector<128xf32>
    %reduce_sum3A_22 = vector.multi_reduction <add>, %integer_pow3A, %reduce_sum3A_21 [0] : vector<10000x128xf32> to vector<128xf32>
    %div3A_23 = arith.constant 1.000000e+04 : f32
    %div3A_24 = vector.broadcast %div3A_23 : f32 to vector<128xf32>
    %div3A_25 = arith.divf %reduce_sum3A_22, %div3A_24 : vector<128xf32>
    %broadcast_in_dim3A_26 = vector.shape_cast %div3A_19 : vector<128xf32> to vector<1x128xf32>
    %sub3A_27 = vector.broadcast %broadcast_in_dim3A_26 : vector<1x128xf32> to vector<10000x128xf32>
    %sub3A_28 = arith.subf %mul3A_16, %sub3A_27 : vector<10000x128xf32>
    %add3A_29 = arith.constant 9.99999974E-6 : f32
    %add3A_30 = vector.broadcast %add3A_29 : f32 to vector<128xf32>
    %add3A_31 = arith.addf %div3A_25, %add3A_30 : vector<128xf32>
    %rsqrt3A = math.rsqrt %add3A_31 : vector<128xf32>
    %broadcast_in_dim3A_32 = vector.shape_cast %rsqrt3A : vector<128xf32> to vector<1x128xf32>
    %mul3A_33 = vector.broadcast %broadcast_in_dim3A_32 : vector<1x128xf32> to vector<10000x128xf32>
    %mul3A_34 = arith.mulf %sub3A_28, %mul3A_33 : vector<10000x128xf32>
    %get3A_35 = arith.constant 0 : index
    %get3A_36 = vector.load %arg4[%get3A_35] : memref<128xf32, #tpu.memory_space<vmem>>, vector<128xf32>
    %broadcast_in_dim3A_37 = vector.shape_cast %get3A_36 : vector<128xf32> to vector<1x128xf32>
    %mul3A_38 = vector.broadcast %broadcast_in_dim3A_37 : vector<1x128xf32> to vector<10000x128xf32>
    %mul3A_39 = arith.mulf %mul3A_34, %mul3A_38 : vector<10000x128xf32>
    %get3A_40 = arith.constant 0 : index
    %get3A_41 = vector.load %arg5[%get3A_40] : memref<128xf32, #tpu.memory_space<vmem>>, vector<128xf32>
    %broadcast_in_dim3A_42 = vector.shape_cast %get3A_41 : vector<128xf32> to vector<1x128xf32>
    %add3A_43 = vector.broadcast %broadcast_in_dim3A_42 : vector<1x128xf32> to vector<10000x128xf32>
    %add3A_44 = arith.addf %mul3A_39, %add3A_43 : vector<10000x128xf32>
    %max3A = arith.constant 0.000000e+00 : f32
    %max3A_45 = vector.broadcast %max3A : f32 to vector<10000x128xf32>
    %max3A_46 = arith.maximumf %add3A_44, %max3A_45 : vector<10000x128xf32>
    %get3A_47 = arith.constant 0 : index
    %get3A_48 = arith.constant 0 : index
    %get3A_49 = vector.load %arg3[%get3A_47, %get3A_48] : memref<128x128xf32, #tpu.memory_space<vmem>>, vector<128x128xf32>
    %dot_general3A = arith.constant dense<0.000000e+00> : vector<10000x128xf32>
    %dot_general3A_50 = tpu.matmul %max3A_46, %get3A_49, %dot_general3A {dimension_numbers = #tpu.dot_dimension_numbers<[1], [0], [0], [1], [0, 0, 1, 1], [], []>, transpose_lhs_hint = false} : vector<10000x128xf32>, vector<128x128xf32>, vector<10000x128xf32> -> vector<10000x128xf32>
    %mul3A_51 = vector.broadcast %slice3A : vector<10000x1xf32> to vector<10000x128xf32>
    %mul3A_52 = arith.mulf %dot_general3A_50, %mul3A_51 : vector<10000x128xf32>
    %swap3A = arith.constant 0 : index
    %swap3A_53 = arith.constant 0 : index
    %swap3A_54 = vector.load %arg6[%swap3A, %swap3A_53] : memref<10000x128xf32, #tpu.memory_space<vmem>>, vector<10000x128xf32>
    tpu.vector_store %arg6[%swap3A, %swap3A_53], %mul3A_52 {strides = array<i32>} : memref<10000x128xf32, #tpu.memory_space<vmem>>, vector<10000x128xf32>,
    return
  }
}

module attributes {stable_mosaic.version = 14 : i64} {
  func.func @_tc3_body(%arg0: memref<2x10112x128xf32, #tpu.memory_space<vmem>>, %arg1: memref<10000x128xf32, #tpu.memory_space<vmem>>, %arg2: memref<10112x1xf32, #tpu.memory_space<vmem>>, %arg3: memref<128xf32, #tpu.memory_space<vmem>>, %arg4: memref<128xf32, #tpu.memory_space<vmem>>, %arg5: memref<10000x128xf32, #tpu.memory_space<vmem>>) attributes {dimension_semantics = [], scalar_prefetch = 0 : i64, scratch_operands = 0 : i64, tpu.core_type = #tpu.core_type<tc>} {
    %get3A = arith.constant 0 : index
    %get3A_0 = arith.constant 0 : index
    %get3A_1 = vector.load %arg2[%get3A, %get3A_0] : memref<10112x1xf32, #tpu.memory_space<vmem>>, vector<10112x1xf32>
    %slice3A = vector.extract_strided_slice %get3A_1 {offsets = [0, 0], sizes = [10000, 1], strides = [1, 1]} : vector<10112x1xf32> to vector<10000x1xf32>
    %get3A_2 = arith.constant 0 : index
    %get3A_3 = arith.constant 0 : index
    %get3A_4 = arith.constant 0 : index
    %get3A_5 = vector.load %arg0[%get3A_2, %get3A_3, %get3A_4] : memref<2x10112x128xf32, #tpu.memory_space<vmem>>, vector<1x10000x128xf32>
    %get3A_6 = vector.shape_cast %get3A_5 : vector<1x10000x128xf32> to vector<10000x128xf32>
    %get3A_7 = arith.constant 1 : index
    %get3A_8 = arith.constant 0 : index
    %get3A_9 = arith.constant 0 : index
    %get3A_10 = vector.load %arg0[%get3A_7, %get3A_8, %get3A_9] : memref<2x10112x128xf32, #tpu.memory_space<vmem>>, vector<1x10000x128xf32>
    %get3A_11 = vector.shape_cast %get3A_10 : vector<1x10000x128xf32> to vector<10000x128xf32>
    %add3A = arith.addf %get3A_6, %get3A_11 : vector<10000x128xf32>
    %get3A_12 = arith.constant 0 : index
    %get3A_13 = arith.constant 0 : index
    %get3A_14 = vector.load %arg1[%get3A_12, %get3A_13] : memref<10000x128xf32, #tpu.memory_space<vmem>>, vector<10000x128xf32>
    %add3A_15 = arith.addf %add3A, %get3A_14 : vector<10000x128xf32>
    %mul3A = vector.broadcast %slice3A : vector<10000x1xf32> to vector<10000x128xf32>
    %mul3A_16 = arith.mulf %add3A_15, %mul3A : vector<10000x128xf32>
    %reduce_sum3A = arith.constant dense<0.000000e+00> : vector<128xf32>
    %reduce_sum3A_17 = vector.multi_reduction <add>, %mul3A_16, %reduce_sum3A [0] : vector<10000x128xf32> to vector<128xf32>
    %div3A = arith.constant 1.000000e+04 : f32
    %div3A_18 = vector.broadcast %div3A : f32 to vector<128xf32>
    %div3A_19 = arith.divf %reduce_sum3A_17, %div3A_18 : vector<128xf32>
    %broadcast_in_dim3A = vector.shape_cast %div3A_19 : vector<128xf32> to vector<1x128xf32>
    %sub3A = vector.broadcast %broadcast_in_dim3A : vector<1x128xf32> to vector<10000x128xf32>
    %sub3A_20 = arith.subf %mul3A_16, %sub3A : vector<10000x128xf32>
    %integer_pow3A = arith.mulf %sub3A_20, %sub3A_20 : vector<10000x128xf32>
    %reduce_sum3A_21 = arith.constant dense<0.000000e+00> : vector<128xf32>
    %reduce_sum3A_22 = vector.multi_reduction <add>, %integer_pow3A, %reduce_sum3A_21 [0] : vector<10000x128xf32> to vector<128xf32>
    %div3A_23 = arith.constant 1.000000e+04 : f32
    %div3A_24 = vector.broadcast %div3A_23 : f32 to vector<128xf32>
    %div3A_25 = arith.divf %reduce_sum3A_22, %div3A_24 : vector<128xf32>
    %broadcast_in_dim3A_26 = vector.shape_cast %div3A_19 : vector<128xf32> to vector<1x128xf32>
    %sub3A_27 = vector.broadcast %broadcast_in_dim3A_26 : vector<1x128xf32> to vector<10000x128xf32>
    %sub3A_28 = arith.subf %mul3A_16, %sub3A_27 : vector<10000x128xf32>
    %add3A_29 = arith.constant 9.99999974E-6 : f32
    %add3A_30 = vector.broadcast %add3A_29 : f32 to vector<128xf32>
    %add3A_31 = arith.addf %div3A_25, %add3A_30 : vector<128xf32>
    %rsqrt3A = math.rsqrt %add3A_31 : vector<128xf32>
    %broadcast_in_dim3A_32 = vector.shape_cast %rsqrt3A : vector<128xf32> to vector<1x128xf32>
    %mul3A_33 = vector.broadcast %broadcast_in_dim3A_32 : vector<1x128xf32> to vector<10000x128xf32>
    %mul3A_34 = arith.mulf %sub3A_28, %mul3A_33 : vector<10000x128xf32>
    %get3A_35 = arith.constant 0 : index
    %get3A_36 = vector.load %arg3[%get3A_35] : memref<128xf32, #tpu.memory_space<vmem>>, vector<128xf32>
    %broadcast_in_dim3A_37 = vector.shape_cast %get3A_36 : vector<128xf32> to vector<1x128xf32>
    %mul3A_38 = vector.broadcast %broadcast_in_dim3A_37 : vector<1x128xf32> to vector<10000x128xf32>
    %mul3A_39 = arith.mulf %mul3A_34, %mul3A_38 : vector<10000x128xf32>
    %get3A_40 = arith.constant 0 : index
    %get3A_41 = vector.load %arg4[%get3A_40] : memref<128xf32, #tpu.memory_space<vmem>>, vector<128xf32>
    %broadcast_in_dim3A_42 = vector.shape_cast %get3A_41 : vector<128xf32> to vector<1x128xf32>
    %add3A_43 = vector.broadcast %broadcast_in_dim3A_42 : vector<1x128xf32> to vector<10000x128xf32>
    %add3A_44 = arith.addf %mul3A_39, %add3A_43 : vector<10000x128xf32>
    %swap3A = arith.constant 0 : index
    %swap3A_45 = arith.constant 0 : index
    %swap3A_46 = vector.load %arg5[%swap3A, %swap3A_45] : memref<10000x128xf32, #tpu.memory_space<vmem>>, vector<10000x128xf32>
    tpu.vector_store %arg5[%swap3A, %swap3A_45], %add3A_44 {strides = array<i32>} : memref<10000x128xf32, #tpu.memory_space<vmem>>, vector<10000x128xf32>,
    return
  }
}

</mosaic_0001>

<sc_bundles>
// kernel: kernel.11.cloned.1.call-start
scs
__scs_entry_jumppad:
0x0: {  	(pc) =	sbr.rel $0x88, $3  }
0x1: {  	(tag) =	ssettag $0x0;
	lr =	simm.s32 $0x1  }
0x2: {  	[smem:$0x3F99] =	sst lr;
	_ =	strace $0xD0000000  }
0x3: {  	_ = 	snop  }
0x4: {  	_ = 	snop  }
0x5: {  	_ = 	snop  }
0x6: {  	_ = 	snop  }
0x7: {  	_ = 	snop  }
__scs_overlays_trampoline_lowered:
0x8: {  	[smem:$0x3FA8] =	sst s0  }
0x9: {  	[smem:$0x3FA9] =	sst s1  }
0xa: {  	[smem:$0x3FAA] =	sst s2  }
0xb: {  	[smem:$0x3FAB] =	sst s3  }
0xc: {  	[smem:$0x3FAC] =	sst s4  }
0xd: {  	[smem:$0x3FAD] =	sst s5  }
0xe: {  	[smem:$0x3FAE] =	sst s6  }
0xf: {  	[smem:$0x3FAF] =	sst s7  }
0x10: {  	[smem:$0x3FB0] =	sst s8  }
0x11: {  	[smem:$0x3FB1] =	sst s9;
	s0 =	simm.s32 @!p0 $0x0  }
0x12: {  	s1 =	sld [smem:$0x3F97];
	s0 =	simm.s32 @p0 $0x1  }
0x13: {  	[smem:$0x3FB2] =	sst s0;
	s0 =	simm.s32 @!p1 $0x0  }
0x14: {  	s2 =	sld [smem:$0x3F96];
	s0 =	simm.s32 @p1 $0x1  }
0x15: {  	[smem:$0x3FB3] =	sst s0;
	s0 =	simm.s32 @!p2 $0x0  }
0x16: {  	s3 =	sld [smem:$0x3FDB];
	s0 =	simm.s32 @p2 $0x1  }
0x17: {  	s4 =	simm.s32 $0x1BF5;
	[smem:$0x3FB5] =	sst s0  }
0x18: {  	s0 =	sld [smem:$0x3F98];
	_ =	swait.ge [sflag:s4], $0x0  }
0x19: {  	s7 =	sld [smem:$0x3F99]  }
0x1a: {  	s8 =	sadd.s32 $0xFFFFE003, lr  }
0x1b: {  	s9 =	sadd.s32 $0xFFFFFEF7, lr;
	s5 =	simm.s32 $0xFFFFFFFF;
	p2 =	slt.u32 s8, $0xFFFFF086  }
0x1c: {  	p1 =	slt.u32 s9, $0xF7A;
	s5 =	simm.s32 @!p2 $0x0  }
0x1d: {  	s5 =	simm.s32 @p1 $0x1;
	p0 =	seq.s32 s7, s2  }
0x1e: {  	s7 =	smul.u32 @!p0 $0xF7A, s2;
	p2 =	seq.s32 @!p0 s5, $0x0  }
0x1f: {  	s9 =	smul.u32 $0xF7A, s1;
	s8 =	simm.s32 @!p0 $0x1BF5;
	p2 =	por !p2, p0  }
0x20: {  	[sflag:s8] =	ssyncset.s32 @!p0 $0xFFFFF086;
	s6 =	sadd.s32 @!p0 s3, s7;
	s7 =	simm.s32 @!p0 $0x108  }
0x21: {  	s3 =	sadd.s32 s3, s9;
	s6 =	sadd.s32 @!p0 $0x88, s6;
	s7 =	simm.s32 @p2 $0x1082  }
0x22: {  	[simem:s7], [sflag:s8] =	dma.local @!p0 [hbm:s6], $0xF7A  }
0x23: {  	s9 =	sor.u32 $0xD0000000, s2;
	s6 =	simm.s32 $0x108;
	_ =	swait.ge @!p0 [sflag:s8], $0x0  }
0x24: {  	s3 =	sadd.s32 $0x88, s3;
	s6 =	simm.s32 @!p1 $0x1082;
	[sflag:s4] =	ssyncset.s32 $0xFFFFF086  }
0x25: {  	[simem:s6], [sflag:s4] =	dma.local [hbm:s3], $0xF7A  }
0x26: {  	[smem:$0x3F99] =	sst s1;
	(tag) =	ssettag s2;
	_ =	strace s9  }
0x27: {  	s1 =	sld [smem:$0x3FA9]  }
0x28: {  	s2 =	sld [smem:$0x3FAA]  }
0x29: {  	s4 =	sld [smem:$0x3FAC]  }
0x2a: {  	p0 =	seq.s32 s5, $0x0;
	s5 =	sld [smem:$0x3FAD]  }
0x2b: {  	s6 =	sld [smem:$0x3FAE]  }
0x2c: {  	s7 =	sld [smem:$0x3FAF]  }
0x2d: {  	s3 =	simm.s32 $0x108;
	s8 =	sld [smem:$0x3FB0]  }
0x2e: {  	s3 =	simm.s32 @!p0 $0x1082;
	s9 =	sld [smem:$0x3FB1]  }
0x2f: {  	lr =	sadd.s32 s0, s3;
	s0 =	sld [smem:$0x3FA8]  }
0x30: {  	s3 =	sld [smem:$0x3FAB]  }
0x31: {  	[smem:$0x3FB4] =	sst s10  }
0x32: {  	s10 =	sld [smem:$0x3FB2];
	_ =	sdelay $0x3  }
0x33: {  	p0 =	seq.s32 s10, $0x1;
	s10 =	sld [smem:$0x3FB4];
	_ =	sdelay $0x3  }
0x34: {  	[smem:$0x3FB4] =	sst s10  }
0x35: {  	s10 =	sld [smem:$0x3FB3];
	_ =	sdelay $0x3  }
0x36: {  	p1 =	seq.s32 s10, $0x1;
	s10 =	sld [smem:$0x3FB4];
	_ =	sdelay $0x3  }
0x37: {  	[smem:$0x3FB4] =	sst s10  }
0x38: {  	s10 =	sld [smem:$0x3FB5]  }
0x39: {  	_ = 	snop;
	(pc) =	sbr.ind lr, $3  }
0x3a: {  	_ = 	snop  }
0x3b: {  	_ = 	snop  }
0x3c: {  	p2 =	seq.s32 s10, $0x1;
	s10 =	sld [smem:$0x3FB4]  }
0x3d: {  	_ =	shalt  }
0x3e: {  	_ =	shalt  }
0x3f: {  	_ =	shalt  }
0x40: {  	_ =	shalt  }
0x41: {  	_ =	shalt  }
0x42: {  	_ =	shalt  }
0x43: {  	_ =	shalt  }
0x44: {  	_ =	shalt  }
0x45: {  	_ =	shalt  }
0x46: {  	_ =	shalt  }
0x47: {  	_ =	shalt  }
0x48: {  	_ =	shalt  }
0x49: {  	_ =	shalt  }
0x4a: {  	_ =	shalt  }
0x4b: {  	_ =	shalt  }
0x4c: {  	_ =	shalt  }
0x4d: {  	_ =	shalt  }
0x4e: {  	_ =	shalt  }
0x4f: {  	_ =	shalt  }
0x50: {  	_ =	shalt  }
0x51: {  	_ =	shalt  }
0x52: {  	_ =	shalt  }
0x53: {  	_ =	shalt  }
0x54: {  	_ =	shalt  }
0x55: {  	_ =	shalt  }
0x56: {  	_ =	shalt  }
0x57: {  	_ =	shalt  }
0x58: {  	_ =	shalt  }
0x59: {  	_ =	shalt  }
0x5a: {  	_ =	shalt  }
0x5b: {  	_ =	shalt  }
0x5c: {  	_ =	shalt  }
0x5d: {  	_ =	shalt  }
0x5e: {  	_ =	shalt  }
0x5f: {  	_ =	shalt  }
0x60: {  	_ =	shalt  }
0x61: {  	_ =	shalt  }
0x62: {  	_ =	shalt  }
0x63: {  	_ =	shalt  }
0x64: {  	_ =	shalt  }
0x65: {  	_ =	shalt  }
0x66: {  	_ =	shalt  }
0x67: {  	_ =	shalt  }
0x68: {  	_ =	shalt  }
0x69: {  	_ =	shalt  }
0x6a: {  	_ =	shalt  }
0x6b: {  	_ =	shalt  }
0x6c: {  	_ =	shalt  }
0x6d: {  	_ =	shalt  }
0x6e: {  	_ =	shalt  }
0x6f: {  	_ =	shalt  }
0x70: {  	_ =	shalt  }
0x71: {  	_ =	shalt  }
0x72: {  	_ =	shalt  }
0x73: {  	_ =	shalt  }
0x74: {  	_ =	shalt  }
0x75: {  	_ =	shalt  }
0x76: {  	_ =	shalt  }
0x77: {  	_ =	shalt  }
0x78: {  	_ =	shalt  }
0x79: {  	_ =	shalt  }
0x7a: {  	_ =	shalt  }
0x7b: {  	_ =	shalt  }
0x7c: {  	_ =	shalt  }
0x7d: {  	_ =	shalt  }
0x7e: {  	_ =	shalt  }
0x7f: {  	_ =	shalt  }
0x80: {  	_ =	shalt  }
0x81: {  	_ =	shalt  }
0x82: {  	_ =	shalt  }
0x83: {  	_ =	shalt  }
0x84: {  	_ =	shalt  }
0x85: {  	_ =	shalt  }
0x86: {  	_ =	shalt  }
0x87: {  	_ =	shalt  }
.Lfunc_end0:
.L_simem_size_0:
called_computation.1_lowered:
.L_overlay_start_0:
0x88: {  	s2 =	sld [smem:$0x3FD9]  }
0x89: {  	s3 =	sld [smem:$0x3FFE];
	_ =	sdelay $0x1  }
0x8a: {  	s1 =	srdreg.scid  }
0x8b: {  	s0 =	sand.u32 $0x1, s1  }
0x8c: {  	s17 =	sshll.u32 s0, $0xA;
	s2 =	sadd.s32 s3, s2  }
0x8d: {  	s2 =	sadd.s32 s2, s17  }
0x8e: {  	[smem:$0x3FC0] =	sst s2  }
0x8f: {  	_ = 	snop  }
0x90: {  	s2 =	sld [smem:$0x3FD0];
	(tm) =	ssettm $0x1  }
0x91: {  	s18 =	sld [smem:$0x3FFB];
	_ =	sdelay $0x3  }
0x92: {  	_ =	strace s18  }
0x93: {  	s3 =	sld [smem:$0x3FFC];
	_ =	sdelay $0x3  }
0x94: {  	_ =	strace s3  }
0x95: {  	s3 =	sld [smem:$0x3FFD];
	_ =	sdelay $0x3  }
0x96: {  	_ =	strace s3  }
0x97: {  	_ =	strace $0x8FFFFFFF  }
0x98: {  	s19 =	sld [smem:$0x3FDB];
	_ =	sdelay $0x1  }
0x99: {  	s4 =	simm.s32 $_scs_section_size  }
0x9a: {  	s5 =	simm.s32 $_size__tile_overlayer_lowered;
	s6 =	simm.s32 $_tile_overlayer_lowered  }
0x9b: {  	s22 =	simm.s32 $0x1BFF;
	s21 =	sshll.u32 s6, $0x1;
	s3 =	sadd.s32 s4, s19  }
0x9c: {  	s7 =	simm.s32 $0x0;
	s20 =	sshll.u32 s5, $0x1;
	s5 =	sadd.s32 s21, s3  }
0x9d: {  	[timem:s7], [sflag:s22] =	dma.local [hbm:s5], s20  }
0x9e: {  	_ =	swait.ge [sflag:s22], s20  }
0x9f: {  	s4 =	ssub.s32 $0x0, s20;
	[sflag:s22] =	ssyncset.done $0x0  }
0xa0: {  	[sflag:s22] =	ssyncadd.s32 s4;
	_ =	sdelay $0x1  }
0xa1: {  	s23 =	simm.s32 $0x1B8B  }
0xa2: {  	_ =	swait.ge [sflag:s23], $0x1  }
0xa3: {  	[sflag:s23] =	ssyncset.done $0x0  }
0xa4: {  	s25 =	simm.s32 $0x1B8E;
	s24 =	sld [smem:$0x3FFE];
	[sflag:s23] =	ssyncadd.s32 $0xFFFFFFFF  }
0xa5: {  	s26 =	simm.s32 $execute0_lowered;
	[smem:$0x3FD2] =	sst s25  }
0xa6: {  	s5 =	sshll.u32 s26, $0x1;
	_ =	strace $0x80000049;
	[dreg:$0x1] =	wrdreg $0xFFFFFFFF  }
0xa7: {  	s28 =	simm.s32 $_size_execute0_lowered;
	s3 =	sadd.s32 s3, s5;
	[dreg:$0x0] =	wrdreg $0x0  }
0xa8: {  	s5 =	sshll.u32 s28, $0x1;
	[dreg:$0x2] =	wrdreg s3  }
0xa9: {  	[dreg:$0x3] =	wrdreg s5  }
0xaa: {  	[dreg:$0x4] =	wrdreg $0xC0  }
0xab: {  	_ =	task [dreg:s7], $0x5FFFF  }
0xac: {  	[dreg:$0x1] =	wrdreg $0xFFFFFFFF  }
0xad: {  	[dreg:$0x0] =	wrdreg $0x60  }
0xae: {  	[dreg:$0x2] =	wrdreg s2  }
0xaf: {  	[dreg:$0x3] =	wrdreg s24  }
0xb0: {  	[dreg:$0x4] =	wrdreg $0xC0000  }
0xb1: {  	[dreg:$0x5] =	wrdreg $0x9  }
0xb2: {  	_ =	task.clear_ibuf [dreg:s7], $0x6FFFF;
	_ =	strace $0x90000049  }
0xb3: {  	s29 =	simm.s32 $0x9;
	_ =	strace $0x8000004B  }
0xb4: {  	_ =	swait.ge [sflag:s29], $0x1  }
0xb5: {  	[sflag:s29] =	ssyncadd.s32 $0xFFFFFFFF  }
0xb6: {  	_ =	strace $0x9000004B  }
0xb7: {  	_ =	sfence  }
0xb8: {  	s30 =	sld [smem:$0x0];
	_ =	sdelay $0x2  }
0xb9: {  	s31 =	sshll.u32 s1, $0xD;
	s1 =	sshrl.u32 s1, $0x2  }
0xba: {  	s3 =	sand.u32 $0x4000, s31;
	s1 =	sadd.s32 s1, s30  }
0xbb: {  	s0 =	sor.u32 s3, s0;
	s1 =	sshll.u32 s1, $0x11  }
0xbc: {  	s0 =	sor.u32 s1, s0  }
0xbd: {  	s0 =	sadd.s32 $0x8F2B, s0  }
0xbe: {  	[sflag:s0] =	ssyncadd.remote.s32 $0x1  }
0xbf: {  	_ =	sfence.sel $0xFFFF  }
0xc0: {  	[dreg:$0x0] =	wrdreg $0xFFFFFFFF;
	(pc) =	sbr.abs _section_cstart, $3  }
0xc1: {  	[dreg:$0x1] =	wrdreg $0xFFFFFFFF  }
0xc2: {  	_ =	task.clear_ibuf [dreg:s7], $0x2FFFF;
	_ =	strace $0x9FFFFFFF  }
0xc3: {  	(tm) =	ssettm $0x7FFFFFFF  }
tec
execute0_lowered:
.L_overlay_start_1:
0x0: {  	(tag) =	ssettag $0x1  }
0x1: {  	s2 =	rddreg [dreg:$0x0]  }
0x2: {  	s0 =	rddreg [dreg:$0x1]  }
0x3: {  	s3 =	rddreg [dreg:$0x2]  }
0x4: {  	s11 =	stileid.u32;
	s1 =	srdreg.scid  }
0x5: {  	s5 =	simm.s32 $0x0;
	s4 =	smul.u32 $0x13C00, s11;
	s1 =	sand.u32 $0x1, s1  }
0x6: {  	[smem:$0x7FF] =	sst s5;
	s5 =	sadd.s32 $0x16600, s0;
	s6 =	sadd.s32 $0x2600, s0  }
0x7: {  	s21 =	smul.u32 $0x4F000, s11;
	s9 =	sshll.u32 s11, $0x1;
	s26 =	sshll.u32 s11, $0x6  }
0x8: {  	s7 =	smul.u32 $0x13C000, s1;
	_ =	strace $0x8000004A;
	s22 =	ssub.s32 $0x2, s1  }
0x9: {  	s1 =	sor.u32 s1, s9;
	[dreg:$0x4] =	wrdreg s26;
	s28 =	sor.u32 $0x1C0C, s26  }
0xa: {  	s8 =	sshrl.u32 s4, $0x3;
	s23 =	sshrl.u32 s22, $0x1;
	s10 =	sshrl.u32 s21, $0x2  }
0xb: {  	[dreg:$0x6] =	wrdreg s28;
	s8 =	sadd.s32 s8, s0;
	s4 =	sadd.s32 s4, s7  }
0xc: {  	s7 =	smul.u32 $0x5000, s1;
	s24 =	ssub.s32 s22, s23;
	s25 =	sadd.s32 s10, s3  }
0xd: {  	s4 =	sshrl.u32 s4, $0x3;
	s8 =	sadd.s32 $0x2A600, s8;
	s31 =	smax.u32 s24, $0x1  }
0xe: {  	s0 =	sadd.s32 s4, s0;
	[dreg:$0x5] =	wrdreg s8;
	s29 =	sshrl.u32 s7, $0x3  }
.Ltmp0:
0xf: {  	[dreg:$0xa] =	wrdreg s31;
	s4 =	sshrl.u32 s25, $0x3;
	(pc) =	sbr.rel .LBB2_1-.Ltmp0, $4  }
0x10: {  	s30 =	sadd.s32 s5, s29;
	[dreg:$0xb] =	wrdreg s4  }
0x11: {  	s18 =	simm.s32 $0x40;
	s8 =	sadd.s32 s6, s29;
	[dreg:$0x7] =	wrdreg s30  }
0x12: {  	s26 =	simm.s32 $0xB;
	s0 =	sadd.s32 $0x51E00, s0;
	[dreg:$0x8] =	wrdreg s8  }
0x13: {  	s1 =	simm.s32 $0x0;
	[dreg:$0x9] =	wrdreg s0;
	s8 =	simm.s32 $0xD  }
.LBB2_12:
0x14: {  	s0 =	simm.s32 $0xA  }
0x15: {  	_ =	swait.ge [sflag:s0], $0x2000  }
0x16: {  	[sflag:s0] =	ssyncset.done $0x0  }
0x17: {  	[sflag:s0] =	ssyncadd.s32 $0xFFFFE000  }
0x18: {  	[bflag:$0x0] =	sbarrier.arrive $0xFFFF  }
0x19: {  	s29 =	rddreg [dreg:$0x4]  }
0x1a: {  	s1 =	rddreg [dreg:$0x9]  }
0x1b: {  	s8 =	simm.s32 $0xD;
	s4 =	rddreg [dreg:$0xb];
	s0 =	sor.u32 $0x1C0D, s29  }
0x1c: {  	[hbm:s1], [sflag:s0] =	dma.local [spmem:s4], $0x2780  }
0x1d: {  	_ =	swait.ge [sflag:s8], $0x2780  }
0x1e: {  	s30 =	rddreg [dreg:$0xc]  }
0x1f: {  	s31 =	rddreg [dreg:$0xa];
	s1 =	sadd.s32 $0x1, s30  }
0x20: {  	p0 =	sne.s32 s1, s31  }
.Ltmp1:
0x21: {  	_ = 	snop;
	(pc) =	sbr.rel @!p0 .LBB2_13-.Ltmp1, $3  }
0x22: {  	_ =	sdelay $0x1  }
0x23: {  	[sflag:s8] =	ssyncset.done $0x0  }
0x24: {  	[sflag:s8] =	ssyncadd.s32 $0xFFFFD880  }
.LBB2_1:
0x25: {  	[dreg:$0xc] =	wrdreg s1  }
0x26: {  	s0 =	rddreg [dreg:$0x5]  }
0x27: {  	s19 =	rddreg [dreg:$0x6]  }
0x28: {  	[spmem:s4], [sflag:s19] =	dma.local [hbm:s0], $0x2780  }
0x29: {  	s20 =	simm.s32 $0x0;
	s1 =	rddreg [dreg:$0x7]  }
0x2a: {  	[tilespmem:s20], [sflag:$0xD] =	stream.linear.gather [hbm4b:s1+s20], $0x800, $0x38;
	[tilespmem:$0x1FC00] =	vst v63  }
0x2b: {  	_ =	swait.ge [sflag:s8], $0x800  }
0x2c: {  	[sflag:s8] =	ssyncset.done $0x0  }
0x2d: {  	s22 =	simm.s32 $0x1000;
	s21 =	rddreg [dreg:$0x8];
	[sflag:s8] =	ssyncadd.s32 $0xFFFFF800  }
0x2e: {  	[tilespmem:s22], [sflag:$0xD] =	stream.linear.gather [hbm4b:s21+s20], $0x800, $0x38;
	[tilespmem:$0x1FC00] =	vst v63  }
0x2f: {  	_ =	swait.ge [sflag:s8], $0x800  }
0x30: {  	[sflag:s8] =	ssyncset.done $0x0  }
0x31: {  	s10 =	simm.s32 $0x2000;
	[sflag:s8] =	ssyncadd.s32 $0xFFFFF800  }
0x32: {  	[tilespmem:s10], [sflag:$0x1] =	stream.indirect.gather [hbm4b:s2+s18], $0x80, s20, s18, $0xb8;
	[tilespmem:$0x1FC00] =	vst v63  }
0x33: {  	s23 =	simm.s32 $0x80;
	s24 =	simm.s32 $0x4000  }
0x34: {  	[tilespmem:s24], [sflag:$0x2] =	stream.indirect.gather [hbm4b:s2+s18], $0x80, s23, s18, $0xb8;
	[tilespmem:$0x1FC00] =	vst v63  }
0x35: {  	s25 =	simm.s32 $0x100;
	s28 =	simm.s32 $0x6000  }
0x36: {  	[tilespmem:s28], [sflag:$0x3] =	stream.indirect.gather [hbm4b:s2+s18], $0x80, s25, s18, $0xb8;
	[tilespmem:$0x1FC00] =	vst v63  }
0x37: {  	s29 =	simm.s32 $0x180;
	s30 =	simm.s32 $0x8000;
	s31 =	simm.s32 $0xC  }
0x38: {  	[tilespmem:s30], [sflag:$0x4] =	stream.indirect.gather [hbm4b:s2+s18], $0x80, s29, s18, $0xb8;
	[tilespmem:$0x1FC00] =	vst v63  }
.Ltmp2:
0x39: {  	_ =	swait.ge [sflag:s31], $0x2780;
	(pc) =	sbr.rel .LBB2_3-.Ltmp2, $4  }
0x3a: {  	[sflag:s31] =	ssyncset.done $0x0  }
0x3b: {  	p0 =	por $0x0, $0x0;
	s13 =	simm.s32 $0x4;
	[sflag:s31] =	ssyncadd.s32 $0xFFFFD880  }
0x3c: {  	s12 =	simm.s32 $0xA000;
	s11 =	simm.s32 $0x0;
	[bflag:$0x0] =	sbarrier.arrive $0xFFFF  }
0x3d: {  	s19 =	simm.s32 $0x0;
	s8 =	simm.s32 $0xFFFFFFFF;
	s20 =	simm.s32 $0x0  }
.LBB2_2:
0x3e: {  	p1 =	seq.s32 s20, $0xA  }
.Ltmp3:
0x3f: {  	_ = 	snop;
	(pc) =	sbr.rel @p1 .LBB2_12-.Ltmp3, $4  }
0x40: {  	_ = 	snop  }
0x41: {  	p0 =	por !p0, !p0  }
0x42: {  	s19 =	sadd.s32 $0x40, s19;
	s8 =	sadd.s32 $0x10, s8;
	s13 =	sadd.s32 $0x10, s13  }
0x43: {  	s12 =	sadd.s32 $0x20000, s12;
	s11 =	sadd.s32 $0x10, s11;
	s10 =	sadd.s32 $0x20000, s10  }
.LBB2_3:
0x44: {  	s0 =	smov.u32 s20  }
0x45: {  	s20 =	sadd.s32 $0x1, s20;
	p1 =	seq.s32 s0, $0x9  }
0x46: {  	s30 =	smov.u32 s10;
	s31 =	smov.u32 s8;
	s1 =	sshll.u32 @!p1 s20, $0xB  }
0x47: {  	s4 =	sand.u32 $0x1, s0;
	s23 =	sshll.u32 s0, $0x4;
	s1 =	sadd.s32 @!p1 s7, s1  }
0x48: {  	s0 =	smov.u32 s13;
	s4 =	sshll.u32 @!p1 s4, $0xB;
	s1 =	sshrl.u32 @!p1 s1, $0x3  }
0x49: {  	s17 =	simm.s32 @!p1 $0x0;
	s9 =	sxor.u32 @!p1 $0x800, s4;
	s14 =	sadd.s32 @!p1 s5, s1  }
0x4a: {  	[tilespmem:s9], [sflag:$0xB] =	stream.linear.gather @!p1 [hbm4b:s14+s17], $0x800, $0x38;
	[tilespmem:$0x1FC00] =	vst v63  }
0x4b: {  	s1 =	sadd.s32 @!p1 s6, s1;
	s9 =	sxor.u32 @!p1 $0x1800, s4;
	s4 =	simm.s32 @p1 $0x800  }
0x4c: {  	[tilespmem:s9], [sflag:$0xB] =	stream.linear.gather @!p1 [hbm4b:s1+s17], $0x800, $0x38;
	[tilespmem:$0x1FC00] =	vst v63  }
.Ltmp4:
0x4d: {  	s14 =	simm.s32 $0x0;
	s4 =	sshll.u32 s4, $0x2;
	(pc) =	sbr.rel .LBB2_4-.Ltmp4, $4  }
0x4e: {  	s1 =	simm.s32 $0x1;
	s4 =	ssub.s32 $0x0, s4;
	s9 =	simm.s32 $0x0  }
0x4f: {  	s17 =	smov.u32 s11;
	s1 =	simm.s32 @!p0 $0x0;
	s4 =	sshra.s32 s4, $0x2  }
0x50: {  	s1 =	sshll.u32 s1, $0xB;
	s24 =	sadd.s32 $0x200, s4;
	s4 =	simm.s32 $0x0  }
0x51: {  	s21 =	sor.u32 $0x1000, s1;
	s22 =	sor.u32 $0x200, s1;
	s1 =	smov.u32 s12  }
.LBB2_7:
0x52: {  	s28 =	smul.u32 $0xFFFFFFEC, s25;
	_ =	sdelay $0x1  }
0x53: {  	s16 =	smul.u32 $0xFFFD8000, s25;
	s28 =	sshra.s32 s28, $0x2  }
0x54: {  	s15 =	sshra.s32 s19, $0x2;
	s29 =	sshra.s32 s14, $0x2;
	s28 =	sadd.s32 $0x5, s28  }
0x55: {  	s25 =	sshra.s32 s16, $0x2;
	s16 =	sshra.s32 s9, $0x2;
	s15 =	sadd.s32 s15, s28  }
0x56: {  	s25 =	sadd.s32 s25, s1;
	s16 =	sadd.s32 s16, s22;
	s15 =	sadd.s32 s29, s15  }
0x57: {  	[tilespmem:s25], [sflag:s15] =	stream.indirect.gather [hbm4b:s2+s18], $0x80, s16, s18, $0xb8;
	[tilespmem:$0x1FC00] =	vst v63  }
.LBB2_11:
0x58: {  	s15 =	smulhi.u32 $0xCCCCCCCD, s17;
	_ =	sdelay $0x1  }
0x59: {  	s28 =	sshra.s32 s19, $0x2;
	s15 =	sshrl.u32 s15, $0x2  }
0x5a: {  	s29 =	sshra.s32 s14, $0x2;
	s4 =	sadd.s32 $0x1, s4;
	s16 =	smul.u32 $0xFFFFFFEC, s15  }
0x5b: {  	s14 =	sadd.s32 $0x4, s14;
	s31 =	sadd.s32 $0x1, s31;
	s0 =	sadd.s32 $0x1, s0  }
0x5c: {  	s1 =	sadd.s32 $0x2000, s1;
	s15 =	smul.u32 $0xFFFD8000, s15;
	s16 =	sshra.s32 s16, $0x2  }
0x5d: {  	s17 =	sadd.s32 $0x1, s17;
	p2 =	seq.s32 s14, $0x40;
	s25 =	sadd.s32 $0x1, s16  }
0x5e: {  	s15 =	sshra.s32 s15, $0x2;
	s16 =	sadd.s32 $0x6, s16;
	s25 =	sadd.s32 s28, s25  }
.Ltmp5:
0x5f: {  	s15 =	sadd.s32 s15, s30;
	s25 =	sadd.s32 s29, s25;
	(pc) =	sbr.rel @p2 .LBB2_2-.Ltmp5, $4  }
0x60: {  	s30 =	sadd.s32 $0x2000, s30;
	s16 =	sadd.s32 s28, s16;
	_ =	swait.ge [sflag:s25], $0x2000  }
0x61: {  	s28 =	sshra.s32 s9, $0x2;
	s9 =	sadd.s32 $0x200, s9;
	[sflag:s25] =	ssyncset.done $0x0  }
0x62: {  	s28 =	sadd.s32 s28, s21;
	s16 =	sadd.s32 s29, s16;
	[sflag:s25] =	ssyncadd.s32 $0xFFFFE000  }
0x63: {  	[spmem:s3] =	stream.indirect.scatter.add.f32 [tilespmem:s15], [sflag:s16], $0x80, s28, s18, $0xb8;
	[tilespmem:$0x1FC00] =	vst v63  }
.LBB2_4:
0x64: {  	s25 =	smulhi.u32 $0xCCCCCCCD, s31;
	_ =	sdelay $0x1  }
0x65: {  	s25 =	sshrl.u32 s25, $0x2  }
0x66: {  	s25 =	smul.u32 $0xFFFFFFEC, s25  }
0x67: {  	s28 =	sadd.s32 s14, s19  }
0x68: {  	p3 =	sne.s32 @!p1 s14, $0x30;
	p2 =	seq.s32 s28, $0x0;
	s25 =	sshra.s32 s25, $0x2  }
0x69: {  	p3 =	por p1, p3;
	s28 =	sshra.s32 @!p2 s19, $0x2;
	s25 =	sadd.s32 $0x5, s25  }
.Ltmp6:
0x6a: {  	s25 =	sadd.s32 @!p2 s28, s25;
	s28 =	sshra.s32 @!p2 s14, $0x2;
	(pc) =	sbr.rel @p3 .LBB2_6-.Ltmp6, $4  }
0x6b: {  	s25 =	sadd.s32 @!p2 s28, s25  }
0x6c: {  	_ =	swait.ge @!p2 [sflag:s25], $0x2000  }
0x6d: {  	[sflag:s25] =	ssyncset.done @!p2 $0x0  }
0x6e: {  	[sflag:s25] =	ssyncadd.s32 @!p2 $0xFFFFE000  }
0x6f: {  	s25 =	sadd.s32 s23, s4  }
0x70: {  	s25 =	sadd.s32 $0x4, s25  }
0x71: {  	_ =	swait.ge [sflag:s26], $0x800;
	s28 =	smulhi.u32 $0xCCCCCCCD, s25  }
0x72: {  	[sflag:s26] =	ssyncset.done $0x0  }
0x73: {  	[sflag:s26] =	ssyncadd.s32 $0xFFFFF800;
	s28 =	sshrl.u32 s28, $0x2  }
0x74: {  	_ =	swait.ge [sflag:s26], $0x800;
	s28 =	smul.u32 $0x5, s28  }
0x75: {  	[sflag:s26] =	ssyncset.done $0x0  }
0x76: {  	[sflag:s26] =	ssyncadd.s32 $0xFFFFF800;
	s25 =	ssub.s32 s25, s28  }
.LBB2_10:
.Ltmp7:
0x77: {  	(pc) =	sbr.rel .LBB2_11-.Ltmp7, $4  }
0x78: {  	s15 =	sshll.u32 s25, $0xD  }
0x79: {  	s16 =	sshra.s32 s9, $0x2;
	s15 =	sand.u32 $0x3FFFE000, s15  }
0x7a: {  	s29 =	sadd.s32 $0x1, s25;
	s16 =	sadd.s32 s16, s24;
	s15 =	sadd.s32 $0x2000, s15  }
0x7b: {  	[tilespmem:s15], [sflag:s29] =	stream.indirect.gather [hbm4b:s2+s18], $0x80, s16, s18, $0xb8;
	[tilespmem:$0x1FC00] =	vst v63  }
.LBB2_6:
0x7c: {  	p2 =	sgt.u32 s4, $0xB  }
.Ltmp8:
0x7d: {  	_ = 	snop;
	(pc) =	sbr.rel @!p2 .LBB2_7-.Ltmp8, $3  }
0x7e: {  	_ = 	snop  }
0x7f: {  	s25 =	smulhi.u32 $0xCCCCCCCD, s0;
	_ =	sdelay $0x1  }
0x80: {  	s25 =	sshrl.u32 s25, $0x2  }
.Ltmp9:
0x81: {  	(pc) =	sbr.rel @p1 .LBB2_11-.Ltmp9, $1  }
0x82: {  	_ =	sdelay $0x3  }
.Ltmp10:
0x83: {  	(pc) =	sbr.rel .LBB2_10-.Ltmp10, $3  }
0x84: {  	s15 =	smul.u32 $0x5, s25;
	_ =	sdelay $0x1  }
0x85: {  	s15 =	ssub.s32 s13, s15  }
0x86: {  	s25 =	sadd.s32 s15, s4  }
.LBB2_13:
0x87: {  	_ =	sfence.sel $0x180000  }
0x88: {  	[bflag:$0x0] =	sbarrier.arrive $0xFFFF  }
0x89: {  	_ =	strace $0x9000004A  }
0x8a: {  	s0 =	stileid.u32;
	[bflag:$0x2] =	sbarrier.arrive $0xFFFF  }
0x8b: {  	p0 =	sne.s32 s0, $0x0;
	s0 =	rddreg [dreg:$0x3]  }
0x8c: {  	s0 =	sadd.s32 @!p0 $0x100000, s0  }
0x8d: {  	[sflag:s0] =	ssyncadd.tile.s32 @!p0 $0x1;
	_ =	shalt  }
.Lfunc_end2:
_tile_overlayer_lowered:
.L_overlay_start_2:
0x8e: {  	(tag) =	ssettag $0x2  }
0x8f: {  	s0 =	rddreg [dreg:$0x0];
	s2 =	stileid.u32  }
0x90: {  	s1 =	rddreg [dreg:$0x1];
	p0 =	sne.s32 s2, $0x0  }
0x91: {  	s3 =	rddreg [dreg:$0x2];
	[bflag:$0x3] =	sbarrier.arrive $0xFFFF;
	s2 =	simm.s32 @!p0 $0x1C0D  }
0x92: {  	[timem:s3], [sflag:s2] =	dma.local @!p0 [hbm:s0], s1  }
0x93: {  	s0 =	simm.s32 @!p0 $0xD  }
0x94: {  	_ =	swait.ge @!p0 [sflag:s0], s1  }
0x95: {  	s1 =	ssub.s32 @!p0 $0x0, s1;
	[sflag:s0] =	ssyncset.done @!p0 $0x0  }
0x96: {  	[sflag:s0] =	ssyncadd.s32 @!p0 s1  }
0x97: {  	[bflag:$0x3] =	sbarrier.arrive $0xFFFF  }
0x98: {  	_ =	shalt  }

// kernel: kernel.14.cloned.1.call-start
scs
__scs_entry_jumppad:
0x0: {  	(pc) =	sbr.rel $0x88, $3  }
0x1: {  	(tag) =	ssettag $0x0;
	lr =	simm.s32 $0x1  }
0x2: {  	[smem:$0x3F99] =	sst lr;
	_ =	strace $0xD0000000  }
0x3: {  	_ = 	snop  }
0x4: {  	_ = 	snop  }
0x5: {  	_ = 	snop  }
0x6: {  	_ = 	snop  }
0x7: {  	_ = 	snop  }
__scs_overlays_trampoline_lowered:
0x8: {  	[smem:$0x3FA8] =	sst s0  }
0x9: {  	[smem:$0x3FA9] =	sst s1  }
0xa: {  	[smem:$0x3FAA] =	sst s2  }
0xb: {  	[smem:$0x3FAB] =	sst s3  }
0xc: {  	[smem:$0x3FAC] =	sst s4  }
0xd: {  	[smem:$0x3FAD] =	sst s5  }
0xe: {  	[smem:$0x3FAE] =	sst s6  }
0xf: {  	[smem:$0x3FAF] =	sst s7  }
0x10: {  	[smem:$0x3FB0] =	sst s8  }
0x11: {  	[smem:$0x3FB1] =	sst s9;
	s0 =	simm.s32 @!p0 $0x0  }
0x12: {  	s1 =	sld [smem:$0x3F97];
	s0 =	simm.s32 @p0 $0x1  }
0x13: {  	[smem:$0x3FB2] =	sst s0;
	s0 =	simm.s32 @!p1 $0x0  }
0x14: {  	s2 =	sld [smem:$0x3F96];
	s0 =	simm.s32 @p1 $0x1  }
0x15: {  	[smem:$0x3FB3] =	sst s0;
	s0 =	simm.s32 @!p2 $0x0  }
0x16: {  	s3 =	sld [smem:$0x3FDB];
	s0 =	simm.s32 @p2 $0x1  }
0x17: {  	s4 =	simm.s32 $0x1BF5;
	[smem:$0x3FB5] =	sst s0  }
0x18: {  	s0 =	sld [smem:$0x3F98];
	_ =	swait.ge [sflag:s4], $0x0  }
0x19: {  	s7 =	sld [smem:$0x3F99]  }
0x1a: {  	s8 =	sadd.s32 $0xFFFFE003, lr  }
0x1b: {  	s9 =	sadd.s32 $0xFFFFFEF7, lr;
	s5 =	simm.s32 $0xFFFFFFFF;
	p2 =	slt.u32 s8, $0xFFFFF086  }
0x1c: {  	p1 =	slt.u32 s9, $0xF7A;
	s5 =	simm.s32 @!p2 $0x0  }
0x1d: {  	s5 =	simm.s32 @p1 $0x1;
	p0 =	seq.s32 s7, s2  }
0x1e: {  	s7 =	smul.u32 @!p0 $0xF7A, s2;
	p2 =	seq.s32 @!p0 s5, $0x0  }
0x1f: {  	s9 =	smul.u32 $0xF7A, s1;
	s8 =	simm.s32 @!p0 $0x1BF5;
	p2 =	por !p2, p0  }
0x20: {  	[sflag:s8] =	ssyncset.s32 @!p0 $0xFFFFF086;
	s6 =	sadd.s32 @!p0 s3, s7;
	s7 =	simm.s32 @!p0 $0x108  }
0x21: {  	s3 =	sadd.s32 s3, s9;
	s6 =	sadd.s32 @!p0 $0x88, s6;
	s7 =	simm.s32 @p2 $0x1082  }
0x22: {  	[simem:s7], [sflag:s8] =	dma.local @!p0 [hbm:s6], $0xF7A  }
0x23: {  	s9 =	sor.u32 $0xD0000000, s2;
	s6 =	simm.s32 $0x108;
	_ =	swait.ge @!p0 [sflag:s8], $0x0  }
0x24: {  	s3 =	sadd.s32 $0x88, s3;
	s6 =	simm.s32 @!p1 $0x1082;
	[sflag:s4] =	ssyncset.s32 $0xFFFFF086  }
0x25: {  	[simem:s6], [sflag:s4] =	dma.local [hbm:s3], $0xF7A  }
0x26: {  	[smem:$0x3F99] =	sst s1;
	(tag) =	ssettag s2;
	_ =	strace s9  }
0x27: {  	s1 =	sld [smem:$0x3FA9]  }
0x28: {  	s2 =	sld [smem:$0x3FAA]  }
0x29: {  	s4 =	sld [smem:$0x3FAC]  }
0x2a: {  	p0 =	seq.s32 s5, $0x0;
	s5 =	sld [smem:$0x3FAD]  }
0x2b: {  	s6 =	sld [smem:$0x3FAE]  }
0x2c: {  	s7 =	sld [smem:$0x3FAF]  }
0x2d: {  	s3 =	simm.s32 $0x108;
	s8 =	sld [smem:$0x3FB0]  }
0x2e: {  	s3 =	simm.s32 @!p0 $0x1082;
	s9 =	sld [smem:$0x3FB1]  }
0x2f: {  	lr =	sadd.s32 s0, s3;
	s0 =	sld [smem:$0x3FA8]  }
0x30: {  	s3 =	sld [smem:$0x3FAB]  }
0x31: {  	[smem:$0x3FB4] =	sst s10  }
0x32: {  	s10 =	sld [smem:$0x3FB2];
	_ =	sdelay $0x3  }
0x33: {  	p0 =	seq.s32 s10, $0x1;
	s10 =	sld [smem:$0x3FB4];
	_ =	sdelay $0x3  }
0x34: {  	[smem:$0x3FB4] =	sst s10  }
0x35: {  	s10 =	sld [smem:$0x3FB3];
	_ =	sdelay $0x3  }
0x36: {  	p1 =	seq.s32 s10, $0x1;
	s10 =	sld [smem:$0x3FB4];
	_ =	sdelay $0x3  }
0x37: {  	[smem:$0x3FB4] =	sst s10  }
0x38: {  	s10 =	sld [smem:$0x3FB5]  }
0x39: {  	_ = 	snop;
	(pc) =	sbr.ind lr, $3  }
0x3a: {  	_ = 	snop  }
0x3b: {  	_ = 	snop  }
0x3c: {  	p2 =	seq.s32 s10, $0x1;
	s10 =	sld [smem:$0x3FB4]  }
0x3d: {  	_ =	shalt  }
0x3e: {  	_ =	shalt  }
0x3f: {  	_ =	shalt  }
0x40: {  	_ =	shalt  }
0x41: {  	_ =	shalt  }
0x42: {  	_ =	shalt  }
0x43: {  	_ =	shalt  }
0x44: {  	_ =	shalt  }
0x45: {  	_ =	shalt  }
0x46: {  	_ =	shalt  }
0x47: {  	_ =	shalt  }
0x48: {  	_ =	shalt  }
0x49: {  	_ =	shalt  }
0x4a: {  	_ =	shalt  }
0x4b: {  	_ =	shalt  }
0x4c: {  	_ =	shalt  }
0x4d: {  	_ =	shalt  }
0x4e: {  	_ =	shalt  }
0x4f: {  	_ =	shalt  }
0x50: {  	_ =	shalt  }
0x51: {  	_ =	shalt  }
0x52: {  	_ =	shalt  }
0x53: {  	_ =	shalt  }
0x54: {  	_ =	shalt  }
0x55: {  	_ =	shalt  }
0x56: {  	_ =	shalt  }
0x57: {  	_ =	shalt  }
0x58: {  	_ =	shalt  }
0x59: {  	_ =	shalt  }
0x5a: {  	_ =	shalt  }
0x5b: {  	_ =	shalt  }
0x5c: {  	_ =	shalt  }
0x5d: {  	_ =	shalt  }
0x5e: {  	_ =	shalt  }
0x5f: {  	_ =	shalt  }
0x60: {  	_ =	shalt  }
0x61: {  	_ =	shalt  }
0x62: {  	_ =	shalt  }
0x63: {  	_ =	shalt  }
0x64: {  	_ =	shalt  }
0x65: {  	_ =	shalt  }
0x66: {  	_ =	shalt  }
0x67: {  	_ =	shalt  }
0x68: {  	_ =	shalt  }
0x69: {  	_ =	shalt  }
0x6a: {  	_ =	shalt  }
0x6b: {  	_ =	shalt  }
0x6c: {  	_ =	shalt  }
0x6d: {  	_ =	shalt  }
0x6e: {  	_ =	shalt  }
0x6f: {  	_ =	shalt  }
0x70: {  	_ =	shalt  }
0x71: {  	_ =	shalt  }
0x72: {  	_ =	shalt  }
0x73: {  	_ =	shalt  }
0x74: {  	_ =	shalt  }
0x75: {  	_ =	shalt  }
0x76: {  	_ =	shalt  }
0x77: {  	_ =	shalt  }
0x78: {  	_ =	shalt  }
0x79: {  	_ =	shalt  }
0x7a: {  	_ =	shalt  }
0x7b: {  	_ =	shalt  }
0x7c: {  	_ =	shalt  }
0x7d: {  	_ =	shalt  }
0x7e: {  	_ =	shalt  }
0x7f: {  	_ =	shalt  }
0x80: {  	_ =	shalt  }
0x81: {  	_ =	shalt  }
0x82: {  	_ =	shalt  }
0x83: {  	_ =	shalt  }
0x84: {  	_ =	shalt  }
0x85: {  	_ =	shalt  }
0x86: {  	_ =	shalt  }
0x87: {  	_ =	shalt  }
.Lfunc_end0:
.L_simem_size_0:
called_computation.2_lowered:
.L_overlay_start_0:
0x88: {  	s2 =	sld [smem:$0x3FD9]  }
0x89: {  	s3 =	sld [smem:$0x3FFE];
	_ =	sdelay $0x1  }
0x8a: {  	s1 =	srdreg.scid  }
0x8b: {  	s0 =	sand.u32 $0x1, s1  }
0x8c: {  	s17 =	sshll.u32 s0, $0xA;
	s2 =	sadd.s32 s3, s2  }
0x8d: {  	s2 =	sadd.s32 s2, s17  }
0x8e: {  	[smem:$0x3FC0] =	sst s2  }
0x8f: {  	_ = 	snop  }
0x90: {  	s2 =	sld [smem:$0x3FD0];
	(tm) =	ssettm $0x1  }
0x91: {  	s18 =	sld [smem:$0x3FFB];
	_ =	sdelay $0x3  }
0x92: {  	_ =	strace s18  }
0x93: {  	s3 =	sld [smem:$0x3FFC];
	_ =	sdelay $0x3  }
0x94: {  	_ =	strace s3  }
0x95: {  	s3 =	sld [smem:$0x3FFD];
	_ =	sdelay $0x3  }
0x96: {  	_ =	strace s3  }
0x97: {  	_ =	strace $0x8FFFFFFF  }
0x98: {  	s19 =	sld [smem:$0x3FDB];
	_ =	sdelay $0x1  }
0x99: {  	s4 =	simm.s32 $_scs_section_size  }
0x9a: {  	s5 =	simm.s32 $_size__tile_overlayer_lowered;
	s6 =	simm.s32 $_tile_overlayer_lowered  }
0x9b: {  	s22 =	simm.s32 $0x1BFF;
	s21 =	sshll.u32 s6, $0x1;
	s3 =	sadd.s32 s4, s19  }
0x9c: {  	s7 =	simm.s32 $0x0;
	s20 =	sshll.u32 s5, $0x1;
	s5 =	sadd.s32 s21, s3  }
0x9d: {  	[timem:s7], [sflag:s22] =	dma.local [hbm:s5], s20  }
0x9e: {  	_ =	swait.ge [sflag:s22], s20  }
0x9f: {  	s4 =	ssub.s32 $0x0, s20;
	[sflag:s22] =	ssyncset.done $0x0  }
0xa0: {  	[sflag:s22] =	ssyncadd.s32 s4;
	_ =	sdelay $0x1  }
0xa1: {  	s23 =	simm.s32 $0x1B8B  }
0xa2: {  	_ =	swait.ge [sflag:s23], $0x1  }
0xa3: {  	[sflag:s23] =	ssyncset.done $0x0  }
0xa4: {  	s25 =	simm.s32 $0x1B8E;
	s24 =	sld [smem:$0x3FFE];
	[sflag:s23] =	ssyncadd.s32 $0xFFFFFFFF  }
0xa5: {  	s26 =	simm.s32 $execute0_lowered;
	[smem:$0x3FD2] =	sst s25  }
0xa6: {  	s5 =	sshll.u32 s26, $0x1;
	_ =	strace $0x8000004C;
	[dreg:$0x1] =	wrdreg $0xFFFFFFFF  }
0xa7: {  	s28 =	simm.s32 $_size_execute0_lowered;
	s3 =	sadd.s32 s3, s5;
	[dreg:$0x0] =	wrdreg $0x0  }
0xa8: {  	s5 =	sshll.u32 s28, $0x1;
	[dreg:$0x2] =	wrdreg s3  }
0xa9: {  	[dreg:$0x3] =	wrdreg s5  }
0xaa: {  	[dreg:$0x4] =	wrdreg $0xC0  }
0xab: {  	_ =	task [dreg:s7], $0x5FFFF  }
0xac: {  	[dreg:$0x1] =	wrdreg $0xFFFFFFFF  }
0xad: {  	[dreg:$0x0] =	wrdreg $0x60  }
0xae: {  	[dreg:$0x2] =	wrdreg s2  }
0xaf: {  	[dreg:$0x3] =	wrdreg s24  }
0xb0: {  	[dreg:$0x4] =	wrdreg $0xC0000  }
0xb1: {  	[dreg:$0x5] =	wrdreg $0x9  }
0xb2: {  	_ =	task.clear_ibuf [dreg:s7], $0x6FFFF;
	_ =	strace $0x9000004C  }
0xb3: {  	s29 =	simm.s32 $0x9;
	_ =	strace $0x8000004E  }
0xb4: {  	_ =	swait.ge [sflag:s29], $0x1  }
0xb5: {  	[sflag:s29] =	ssyncadd.s32 $0xFFFFFFFF  }
0xb6: {  	_ =	strace $0x9000004E  }
0xb7: {  	_ =	sfence  }
0xb8: {  	s30 =	sld [smem:$0x0];
	_ =	sdelay $0x2  }
0xb9: {  	s31 =	sshll.u32 s1, $0xD;
	s1 =	sshrl.u32 s1, $0x2  }
0xba: {  	s3 =	sand.u32 $0x4000, s31;
	s1 =	sadd.s32 s1, s30  }
0xbb: {  	s0 =	sor.u32 s3, s0;
	s1 =	sshll.u32 s1, $0x11  }
0xbc: {  	s0 =	sor.u32 s1, s0  }
0xbd: {  	s0 =	sadd.s32 $0x8F2B, s0  }
0xbe: {  	[sflag:s0] =	ssyncadd.remote.s32 $0x1  }
0xbf: {  	_ =	sfence.sel $0xFFFF  }
0xc0: {  	[dreg:$0x0] =	wrdreg $0xFFFFFFFF;
	(pc) =	sbr.abs _section_cstart, $3  }
0xc1: {  	[dreg:$0x1] =	wrdreg $0xFFFFFFFF  }
0xc2: {  	_ =	task.clear_ibuf [dreg:s7], $0x2FFFF;
	_ =	strace $0x9FFFFFFF  }
0xc3: {  	(tm) =	ssettm $0x7FFFFFFF  }
tec
execute0_lowered:
.L_overlay_start_1:
0x0: {  	(tag) =	ssettag $0x1  }
0x1: {  	s2 =	rddreg [dreg:$0x0]  }
0x2: {  	s0 =	rddreg [dreg:$0x1]  }
0x3: {  	s3 =	rddreg [dreg:$0x2]  }
0x4: {  	s11 =	stileid.u32;
	s1 =	srdreg.scid  }
0x5: {  	s5 =	simm.s32 $0x0;
	s4 =	smul.u32 $0x13C00, s11;
	s1 =	sand.u32 $0x1, s1  }
0x6: {  	[smem:$0x7FF] =	sst s5;
	s5 =	sadd.s32 $0x16600, s0;
	s6 =	sadd.s32 $0x2600, s0  }
0x7: {  	s21 =	smul.u32 $0x4F000, s11;
	s9 =	sshll.u32 s11, $0x1;
	s26 =	sshll.u32 s11, $0x6  }
0x8: {  	s7 =	smul.u32 $0x13C000, s1;
	_ =	strace $0x8000004D;
	s22 =	ssub.s32 $0x2, s1  }
0x9: {  	s1 =	sor.u32 s1, s9;
	[dreg:$0x4] =	wrdreg s26;
	s28 =	sor.u32 $0x1C0C, s26  }
0xa: {  	s8 =	sshrl.u32 s4, $0x3;
	s23 =	sshrl.u32 s22, $0x1;
	s10 =	sshrl.u32 s21, $0x2  }
0xb: {  	[dreg:$0x6] =	wrdreg s28;
	s8 =	sadd.s32 s8, s0;
	s4 =	sadd.s32 s4, s7  }
0xc: {  	s7 =	smul.u32 $0x5000, s1;
	s24 =	ssub.s32 s22, s23;
	s25 =	sadd.s32 s10, s3  }
0xd: {  	s4 =	sshrl.u32 s4, $0x3;
	s8 =	sadd.s32 $0x2A600, s8;
	s31 =	smax.u32 s24, $0x1  }
0xe: {  	s0 =	sadd.s32 s4, s0;
	[dreg:$0x5] =	wrdreg s8;
	s29 =	sshrl.u32 s7, $0x3  }
.Ltmp0:
0xf: {  	[dreg:$0xa] =	wrdreg s31;
	s4 =	sshrl.u32 s25, $0x3;
	(pc) =	sbr.rel .LBB2_1-.Ltmp0, $4  }
0x10: {  	s30 =	sadd.s32 s5, s29;
	[dreg:$0xb] =	wrdreg s4  }
0x11: {  	s18 =	simm.s32 $0x40;
	s8 =	sadd.s32 s6, s29;
	[dreg:$0x7] =	wrdreg s30  }
0x12: {  	s26 =	simm.s32 $0xB;
	s0 =	sadd.s32 $0x51E00, s0;
	[dreg:$0x8] =	wrdreg s8  }
0x13: {  	s1 =	simm.s32 $0x0;
	[dreg:$0x9] =	wrdreg s0;
	s8 =	simm.s32 $0xD  }
.LBB2_12:
0x14: {  	s0 =	simm.s32 $0xA  }
0x15: {  	_ =	swait.ge [sflag:s0], $0x2000  }
0x16: {  	[sflag:s0] =	ssyncset.done $0x0  }
0x17: {  	[sflag:s0] =	ssyncadd.s32 $0xFFFFE000  }
0x18: {  	[bflag:$0x0] =	sbarrier.arrive $0xFFFF  }
0x19: {  	s29 =	rddreg [dreg:$0x4]  }
0x1a: {  	s1 =	rddreg [dreg:$0x9]  }
0x1b: {  	s8 =	simm.s32 $0xD;
	s4 =	rddreg [dreg:$0xb];
	s0 =	sor.u32 $0x1C0D, s29  }
0x1c: {  	[hbm:s1], [sflag:s0] =	dma.local [spmem:s4], $0x2780  }
0x1d: {  	_ =	swait.ge [sflag:s8], $0x2780  }
0x1e: {  	s30 =	rddreg [dreg:$0xc]  }
0x1f: {  	s31 =	rddreg [dreg:$0xa];
	s1 =	sadd.s32 $0x1, s30  }
0x20: {  	p0 =	sne.s32 s1, s31  }
.Ltmp1:
0x21: {  	_ = 	snop;
	(pc) =	sbr.rel @!p0 .LBB2_13-.Ltmp1, $3  }
0x22: {  	_ =	sdelay $0x1  }
0x23: {  	[sflag:s8] =	ssyncset.done $0x0  }
0x24: {  	[sflag:s8] =	ssyncadd.s32 $0xFFFFD880  }
.LBB2_1:
0x25: {  	[dreg:$0xc] =	wrdreg s1  }
0x26: {  	s0 =	rddreg [dreg:$0x5]  }
0x27: {  	s19 =	rddreg [dreg:$0x6]  }
0x28: {  	[spmem:s4], [sflag:s19] =	dma.local [hbm:s0], $0x2780  }
0x29: {  	s20 =	simm.s32 $0x0;
	s1 =	rddreg [dreg:$0x7]  }
0x2a: {  	[tilespmem:s20], [sflag:$0xD] =	stream.linear.gather [hbm4b:s1+s20], $0x800, $0x38;
	[tilespmem:$0x1FC00] =	vst v63  }
0x2b: {  	_ =	swait.ge [sflag:s8], $0x800  }
0x2c: {  	[sflag:s8] =	ssyncset.done $0x0  }
0x2d: {  	s22 =	simm.s32 $0x1000;
	s21 =	rddreg [dreg:$0x8];
	[sflag:s8] =	ssyncadd.s32 $0xFFFFF800  }
0x2e: {  	[tilespmem:s22], [sflag:$0xD] =	stream.linear.gather [hbm4b:s21+s20], $0x800, $0x38;
	[tilespmem:$0x1FC00] =	vst v63  }
0x2f: {  	_ =	swait.ge [sflag:s8], $0x800  }
0x30: {  	[sflag:s8] =	ssyncset.done $0x0  }
0x31: {  	s10 =	simm.s32 $0x2000;
	[sflag:s8] =	ssyncadd.s32 $0xFFFFF800  }
0x32: {  	[tilespmem:s10], [sflag:$0x1] =	stream.indirect.gather [hbm4b:s2+s18], $0x80, s20, s18, $0xb8;
	[tilespmem:$0x1FC00] =	vst v63  }
0x33: {  	s23 =	simm.s32 $0x80;
	s24 =	simm.s32 $0x4000  }
0x34: {  	[tilespmem:s24], [sflag:$0x2] =	stream.indirect.gather [hbm4b:s2+s18], $0x80, s23, s18, $0xb8;
	[tilespmem:$0x1FC00] =	vst v63  }
0x35: {  	s25 =	simm.s32 $0x100;
	s28 =	simm.s32 $0x6000  }
0x36: {  	[tilespmem:s28], [sflag:$0x3] =	stream.indirect.gather [hbm4b:s2+s18], $0x80, s25, s18, $0xb8;
	[tilespmem:$0x1FC00] =	vst v63  }
0x37: {  	s29 =	simm.s32 $0x180;
	s30 =	simm.s32 $0x8000;
	s31 =	simm.s32 $0xC  }
0x38: {  	[tilespmem:s30], [sflag:$0x4] =	stream.indirect.gather [hbm4b:s2+s18], $0x80, s29, s18, $0xb8;
	[tilespmem:$0x1FC00] =	vst v63  }
.Ltmp2:
0x39: {  	_ =	swait.ge [sflag:s31], $0x2780;
	(pc) =	sbr.rel .LBB2_3-.Ltmp2, $4  }
0x3a: {  	[sflag:s31] =	ssyncset.done $0x0  }
0x3b: {  	p0 =	por $0x0, $0x0;
	s13 =	simm.s32 $0x4;
	[sflag:s31] =	ssyncadd.s32 $0xFFFFD880  }
0x3c: {  	s12 =	simm.s32 $0xA000;
	s11 =	simm.s32 $0x0;
	[bflag:$0x0] =	sbarrier.arrive $0xFFFF  }
0x3d: {  	s19 =	simm.s32 $0x0;
	s8 =	simm.s32 $0xFFFFFFFF;
	s20 =	simm.s32 $0x0  }
.LBB2_2:
0x3e: {  	p1 =	seq.s32 s20, $0xA  }
.Ltmp3:
0x3f: {  	_ = 	snop;
	(pc) =	sbr.rel @p1 .LBB2_12-.Ltmp3, $4  }
0x40: {  	_ = 	snop  }
0x41: {  	p0 =	por !p0, !p0  }
0x42: {  	s19 =	sadd.s32 $0x40, s19;
	s8 =	sadd.s32 $0x10, s8;
	s13 =	sadd.s32 $0x10, s13  }
0x43: {  	s12 =	sadd.s32 $0x20000, s12;
	s11 =	sadd.s32 $0x10, s11;
	s10 =	sadd.s32 $0x20000, s10  }
.LBB2_3:
0x44: {  	s0 =	smov.u32 s20  }
0x45: {  	s20 =	sadd.s32 $0x1, s20;
	p1 =	seq.s32 s0, $0x9  }
0x46: {  	s30 =	smov.u32 s10;
	s31 =	smov.u32 s8;
	s1 =	sshll.u32 @!p1 s20, $0xB  }
0x47: {  	s4 =	sand.u32 $0x1, s0;
	s23 =	sshll.u32 s0, $0x4;
	s1 =	sadd.s32 @!p1 s7, s1  }
0x48: {  	s0 =	smov.u32 s13;
	s4 =	sshll.u32 @!p1 s4, $0xB;
	s1 =	sshrl.u32 @!p1 s1, $0x3  }
0x49: {  	s17 =	simm.s32 @!p1 $0x0;
	s9 =	sxor.u32 @!p1 $0x800, s4;
	s14 =	sadd.s32 @!p1 s5, s1  }
0x4a: {  	[tilespmem:s9], [sflag:$0xB] =	stream.linear.gather @!p1 [hbm4b:s14+s17], $0x800, $0x38;
	[tilespmem:$0x1FC00] =	vst v63  }
0x4b: {  	s1 =	sadd.s32 @!p1 s6, s1;
	s9 =	sxor.u32 @!p1 $0x1800, s4;
	s4 =	simm.s32 @p1 $0x800  }
0x4c: {  	[tilespmem:s9], [sflag:$0xB] =	stream.linear.gather @!p1 [hbm4b:s1+s17], $0x800, $0x38;
	[tilespmem:$0x1FC00] =	vst v63  }
.Ltmp4:
0x4d: {  	s14 =	simm.s32 $0x0;
	s4 =	sshll.u32 s4, $0x2;
	(pc) =	sbr.rel .LBB2_4-.Ltmp4, $4  }
0x4e: {  	s1 =	simm.s32 $0x1;
	s4 =	ssub.s32 $0x0, s4;
	s9 =	simm.s32 $0x0  }
0x4f: {  	s17 =	smov.u32 s11;
	s1 =	simm.s32 @!p0 $0x0;
	s4 =	sshra.s32 s4, $0x2  }
0x50: {  	s1 =	sshll.u32 s1, $0xB;
	s24 =	sadd.s32 $0x200, s4;
	s4 =	simm.s32 $0x0  }
0x51: {  	s21 =	sor.u32 $0x1000, s1;
	s22 =	sor.u32 $0x200, s1;
	s1 =	smov.u32 s12  }
.LBB2_7:
0x52: {  	s28 =	smul.u32 $0xFFFFFFEC, s25;
	_ =	sdelay $0x1  }
0x53: {  	s16 =	smul.u32 $0xFFFD8000, s25;
	s28 =	sshra.s32 s28, $0x2  }
0x54: {  	s15 =	sshra.s32 s19, $0x2;
	s29 =	sshra.s32 s14, $0x2;
	s28 =	sadd.s32 $0x5, s28  }
0x55: {  	s25 =	sshra.s32 s16, $0x2;
	s16 =	sshra.s32 s9, $0x2;
	s15 =	sadd.s32 s15, s28  }
0x56: {  	s25 =	sadd.s32 s25, s1;
	s16 =	sadd.s32 s16, s22;
	s15 =	sadd.s32 s29, s15  }
0x57: {  	[tilespmem:s25], [sflag:s15] =	stream.indirect.gather [hbm4b:s2+s18], $0x80, s16, s18, $0xb8;
	[tilespmem:$0x1FC00] =	vst v63  }
.LBB2_11:
0x58: {  	s15 =	smulhi.u32 $0xCCCCCCCD, s17;
	_ =	sdelay $0x1  }
0x59: {  	s28 =	sshra.s32 s19, $0x2;
	s15 =	sshrl.u32 s15, $0x2  }
0x5a: {  	s29 =	sshra.s32 s14, $0x2;
	s4 =	sadd.s32 $0x1, s4;
	s16 =	smul.u32 $0xFFFFFFEC, s15  }
0x5b: {  	s14 =	sadd.s32 $0x4, s14;
	s31 =	sadd.s32 $0x1, s31;
	s0 =	sadd.s32 $0x1, s0  }
0x5c: {  	s1 =	sadd.s32 $0x2000, s1;
	s15 =	smul.u32 $0xFFFD8000, s15;
	s16 =	sshra.s32 s16, $0x2  }
0x5d: {  	s17 =	sadd.s32 $0x1, s17;
	p2 =	seq.s32 s14, $0x40;
	s25 =	sadd.s32 $0x1, s16  }
0x5e: {  	s15 =	sshra.s32 s15, $0x2;
	s16 =	sadd.s32 $0x6, s16;
	s25 =	sadd.s32 s28, s25  }
.Ltmp5:
0x5f: {  	s15 =	sadd.s32 s15, s30;
	s25 =	sadd.s32 s29, s25;
	(pc) =	sbr.rel @p2 .LBB2_2-.Ltmp5, $4  }
0x60: {  	s30 =	sadd.s32 $0x2000, s30;
	s16 =	sadd.s32 s28, s16;
	_ =	swait.ge [sflag:s25], $0x2000  }
0x61: {  	s28 =	sshra.s32 s9, $0x2;
	s9 =	sadd.s32 $0x200, s9;
	[sflag:s25] =	ssyncset.done $0x0  }
0x62: {  	s28 =	sadd.s32 s28, s21;
	s16 =	sadd.s32 s29, s16;
	[sflag:s25] =	ssyncadd.s32 $0xFFFFE000  }
0x63: {  	[spmem:s3] =	stream.indirect.scatter.add.f32 [tilespmem:s15], [sflag:s16], $0x80, s28, s18, $0xb8;
	[tilespmem:$0x1FC00] =	vst v63  }
.LBB2_4:
0x64: {  	s25 =	smulhi.u32 $0xCCCCCCCD, s31;
	_ =	sdelay $0x1  }
0x65: {  	s25 =	sshrl.u32 s25, $0x2  }
0x66: {  	s25 =	smul.u32 $0xFFFFFFEC, s25  }
0x67: {  	s28 =	sadd.s32 s14, s19  }
0x68: {  	p3 =	sne.s32 @!p1 s14, $0x30;
	p2 =	seq.s32 s28, $0x0;
	s25 =	sshra.s32 s25, $0x2  }
0x69: {  	p3 =	por p1, p3;
	s28 =	sshra.s32 @!p2 s19, $0x2;
	s25 =	sadd.s32 $0x5, s25  }
.Ltmp6:
0x6a: {  	s25 =	sadd.s32 @!p2 s28, s25;
	s28 =	sshra.s32 @!p2 s14, $0x2;
	(pc) =	sbr.rel @p3 .LBB2_6-.Ltmp6, $4  }
0x6b: {  	s25 =	sadd.s32 @!p2 s28, s25  }
0x6c: {  	_ =	swait.ge @!p2 [sflag:s25], $0x2000  }
0x6d: {  	[sflag:s25] =	ssyncset.done @!p2 $0x0  }
0x6e: {  	[sflag:s25] =	ssyncadd.s32 @!p2 $0xFFFFE000  }
0x6f: {  	s25 =	sadd.s32 s23, s4  }
0x70: {  	s25 =	sadd.s32 $0x4, s25  }
0x71: {  	_ =	swait.ge [sflag:s26], $0x800;
	s28 =	smulhi.u32 $0xCCCCCCCD, s25  }
0x72: {  	[sflag:s26] =	ssyncset.done $0x0  }
0x73: {  	[sflag:s26] =	ssyncadd.s32 $0xFFFFF800;
	s28 =	sshrl.u32 s28, $0x2  }
0x74: {  	_ =	swait.ge [sflag:s26], $0x800;
	s28 =	smul.u32 $0x5, s28  }
0x75: {  	[sflag:s26] =	ssyncset.done $0x0  }
0x76: {  	[sflag:s26] =	ssyncadd.s32 $0xFFFFF800;
	s25 =	ssub.s32 s25, s28  }
.LBB2_10:
.Ltmp7:
0x77: {  	(pc) =	sbr.rel .LBB2_11-.Ltmp7, $4  }
0x78: {  	s15 =	sshll.u32 s25, $0xD  }
0x79: {  	s16 =	sshra.s32 s9, $0x2;
	s15 =	sand.u32 $0x3FFFE000, s15  }
0x7a: {  	s29 =	sadd.s32 $0x1, s25;
	s16 =	sadd.s32 s16, s24;
	s15 =	sadd.s32 $0x2000, s15  }
0x7b: {  	[tilespmem:s15], [sflag:s29] =	stream.indirect.gather [hbm4b:s2+s18], $0x80, s16, s18, $0xb8;
	[tilespmem:$0x1FC00] =	vst v63  }
.LBB2_6:
0x7c: {  	p2 =	sgt.u32 s4, $0xB  }
.Ltmp8:
0x7d: {  	_ = 	snop;
	(pc) =	sbr.rel @!p2 .LBB2_7-.Ltmp8, $3  }
0x7e: {  	_ = 	snop  }
0x7f: {  	s25 =	smulhi.u32 $0xCCCCCCCD, s0;
	_ =	sdelay $0x1  }
0x80: {  	s25 =	sshrl.u32 s25, $0x2  }
.Ltmp9:
0x81: {  	(pc) =	sbr.rel @p1 .LBB2_11-.Ltmp9, $1  }
0x82: {  	_ =	sdelay $0x3  }
.Ltmp10:
0x83: {  	(pc) =	sbr.rel .LBB2_10-.Ltmp10, $3  }
0x84: {  	s15 =	smul.u32 $0x5, s25;
	_ =	sdelay $0x1  }
0x85: {  	s15 =	ssub.s32 s13, s15  }
0x86: {  	s25 =	sadd.s32 s15, s4  }
.LBB2_13:
0x87: {  	_ =	sfence.sel $0x180000  }
0x88: {  	[bflag:$0x0] =	sbarrier.arrive $0xFFFF  }
0x89: {  	_ =	strace $0x9000004D  }
0x8a: {  	s0 =	stileid.u32;
	[bflag:$0x2] =	sbarrier.arrive $0xFFFF  }
0x8b: {  	p0 =	sne.s32 s0, $0x0;
	s0 =	rddreg [dreg:$0x3]  }
0x8c: {  	s0 =	sadd.s32 @!p0 $0x100000, s0  }
0x8d: {  	[sflag:s0] =	ssyncadd.tile.s32 @!p0 $0x1;
	_ =	shalt  }
.Lfunc_end2:
_tile_overlayer_lowered:
.L_overlay_start_2:
0x8e: {  	(tag) =	ssettag $0x2  }
0x8f: {  	s0 =	rddreg [dreg:$0x0];
	s2 =	stileid.u32  }
0x90: {  	s1 =	rddreg [dreg:$0x1];
	p0 =	sne.s32 s2, $0x0  }
0x91: {  	s3 =	rddreg [dreg:$0x2];
	[bflag:$0x3] =	sbarrier.arrive $0xFFFF;
	s2 =	simm.s32 @!p0 $0x1C0D  }
0x92: {  	[timem:s3], [sflag:s2] =	dma.local @!p0 [hbm:s0], s1  }
0x93: {  	s0 =	simm.s32 @!p0 $0xD  }
0x94: {  	_ =	swait.ge @!p0 [sflag:s0], s1  }
0x95: {  	s1 =	ssub.s32 @!p0 $0x0, s1;
	[sflag:s0] =	ssyncset.done @!p0 $0x0  }
0x96: {  	[sflag:s0] =	ssyncadd.s32 @!p0 s1  }
0x97: {  	[bflag:$0x3] =	sbarrier.arrive $0xFFFF  }
0x98: {  	_ =	shalt  }

// kernel: kernel.8.cloned.1.call-start
scs
__scs_entry_jumppad:
0x0: {  	(pc) =	sbr.rel $0x88, $3  }
0x1: {  	(tag) =	ssettag $0x0;
	lr =	simm.s32 $0x1  }
0x2: {  	[smem:$0x3F99] =	sst lr;
	_ =	strace $0xD0000000  }
0x3: {  	_ = 	snop  }
0x4: {  	_ = 	snop  }
0x5: {  	_ = 	snop  }
0x6: {  	_ = 	snop  }
0x7: {  	_ = 	snop  }
__scs_overlays_trampoline_lowered:
0x8: {  	[smem:$0x3FA8] =	sst s0  }
0x9: {  	[smem:$0x3FA9] =	sst s1  }
0xa: {  	[smem:$0x3FAA] =	sst s2  }
0xb: {  	[smem:$0x3FAB] =	sst s3  }
0xc: {  	[smem:$0x3FAC] =	sst s4  }
0xd: {  	[smem:$0x3FAD] =	sst s5  }
0xe: {  	[smem:$0x3FAE] =	sst s6  }
0xf: {  	[smem:$0x3FAF] =	sst s7  }
0x10: {  	[smem:$0x3FB0] =	sst s8  }
0x11: {  	[smem:$0x3FB1] =	sst s9;
	s0 =	simm.s32 @!p0 $0x0  }
0x12: {  	s1 =	sld [smem:$0x3F97];
	s0 =	simm.s32 @p0 $0x1  }
0x13: {  	[smem:$0x3FB2] =	sst s0;
	s0 =	simm.s32 @!p1 $0x0  }
0x14: {  	s2 =	sld [smem:$0x3F96];
	s0 =	simm.s32 @p1 $0x1  }
0x15: {  	[smem:$0x3FB3] =	sst s0;
	s0 =	simm.s32 @!p2 $0x0  }
0x16: {  	s3 =	sld [smem:$0x3FDB];
	s0 =	simm.s32 @p2 $0x1  }
0x17: {  	s4 =	simm.s32 $0x1BF5;
	[smem:$0x3FB5] =	sst s0  }
0x18: {  	s0 =	sld [smem:$0x3F98];
	_ =	swait.ge [sflag:s4], $0x0  }
0x19: {  	s7 =	sld [smem:$0x3F99]  }
0x1a: {  	s8 =	sadd.s32 $0xFFFFE003, lr  }
0x1b: {  	s9 =	sadd.s32 $0xFFFFFEF7, lr;
	s5 =	simm.s32 $0xFFFFFFFF;
	p2 =	slt.u32 s8, $0xFFFFF086  }
0x1c: {  	p1 =	slt.u32 s9, $0xF7A;
	s5 =	simm.s32 @!p2 $0x0  }
0x1d: {  	s5 =	simm.s32 @p1 $0x1;
	p0 =	seq.s32 s7, s2  }
0x1e: {  	s7 =	smul.u32 @!p0 $0xF7A, s2;
	p2 =	seq.s32 @!p0 s5, $0x0  }
0x1f: {  	s9 =	smul.u32 $0xF7A, s1;
	s8 =	simm.s32 @!p0 $0x1BF5;
	p2 =	por !p2, p0  }
0x20: {  	[sflag:s8] =	ssyncset.s32 @!p0 $0xFFFFF086;
	s6 =	sadd.s32 @!p0 s3, s7;
	s7 =	simm.s32 @!p0 $0x108  }
0x21: {  	s3 =	sadd.s32 s3, s9;
	s6 =	sadd.s32 @!p0 $0x88, s6;
	s7 =	simm.s32 @p2 $0x1082  }
0x22: {  	[simem:s7], [sflag:s8] =	dma.local @!p0 [hbm:s6], $0xF7A  }
0x23: {  	s9 =	sor.u32 $0xD0000000, s2;
	s6 =	simm.s32 $0x108;
	_ =	swait.ge @!p0 [sflag:s8], $0x0  }
0x24: {  	s3 =	sadd.s32 $0x88, s3;
	s6 =	simm.s32 @!p1 $0x1082;
	[sflag:s4] =	ssyncset.s32 $0xFFFFF086  }
0x25: {  	[simem:s6], [sflag:s4] =	dma.local [hbm:s3], $0xF7A  }
0x26: {  	[smem:$0x3F99] =	sst s1;
	(tag) =	ssettag s2;
	_ =	strace s9  }
0x27: {  	s1 =	sld [smem:$0x3FA9]  }
0x28: {  	s2 =	sld [smem:$0x3FAA]  }
0x29: {  	s4 =	sld [smem:$0x3FAC]  }
0x2a: {  	p0 =	seq.s32 s5, $0x0;
	s5 =	sld [smem:$0x3FAD]  }
0x2b: {  	s6 =	sld [smem:$0x3FAE]  }
0x2c: {  	s7 =	sld [smem:$0x3FAF]  }
0x2d: {  	s3 =	simm.s32 $0x108;
	s8 =	sld [smem:$0x3FB0]  }
0x2e: {  	s3 =	simm.s32 @!p0 $0x1082;
	s9 =	sld [smem:$0x3FB1]  }
0x2f: {  	lr =	sadd.s32 s0, s3;
	s0 =	sld [smem:$0x3FA8]  }
0x30: {  	s3 =	sld [smem:$0x3FAB]  }
0x31: {  	[smem:$0x3FB4] =	sst s10  }
0x32: {  	s10 =	sld [smem:$0x3FB2];
	_ =	sdelay $0x3  }
0x33: {  	p0 =	seq.s32 s10, $0x1;
	s10 =	sld [smem:$0x3FB4];
	_ =	sdelay $0x3  }
0x34: {  	[smem:$0x3FB4] =	sst s10  }
0x35: {  	s10 =	sld [smem:$0x3FB3];
	_ =	sdelay $0x3  }
0x36: {  	p1 =	seq.s32 s10, $0x1;
	s10 =	sld [smem:$0x3FB4];
	_ =	sdelay $0x3  }
0x37: {  	[smem:$0x3FB4] =	sst s10  }
0x38: {  	s10 =	sld [smem:$0x3FB5]  }
0x39: {  	_ = 	snop;
	(pc) =	sbr.ind lr, $3  }
0x3a: {  	_ = 	snop  }
0x3b: {  	_ = 	snop  }
0x3c: {  	p2 =	seq.s32 s10, $0x1;
	s10 =	sld [smem:$0x3FB4]  }
0x3d: {  	_ =	shalt  }
0x3e: {  	_ =	shalt  }
0x3f: {  	_ =	shalt  }
0x40: {  	_ =	shalt  }
0x41: {  	_ =	shalt  }
0x42: {  	_ =	shalt  }
0x43: {  	_ =	shalt  }
0x44: {  	_ =	shalt  }
0x45: {  	_ =	shalt  }
0x46: {  	_ =	shalt  }
0x47: {  	_ =	shalt  }
0x48: {  	_ =	shalt  }
0x49: {  	_ =	shalt  }
0x4a: {  	_ =	shalt  }
0x4b: {  	_ =	shalt  }
0x4c: {  	_ =	shalt  }
0x4d: {  	_ =	shalt  }
0x4e: {  	_ =	shalt  }
0x4f: {  	_ =	shalt  }
0x50: {  	_ =	shalt  }
0x51: {  	_ =	shalt  }
0x52: {  	_ =	shalt  }
0x53: {  	_ =	shalt  }
0x54: {  	_ =	shalt  }
0x55: {  	_ =	shalt  }
0x56: {  	_ =	shalt  }
0x57: {  	_ =	shalt  }
0x58: {  	_ =	shalt  }
0x59: {  	_ =	shalt  }
0x5a: {  	_ =	shalt  }
0x5b: {  	_ =	shalt  }
0x5c: {  	_ =	shalt  }
0x5d: {  	_ =	shalt  }
0x5e: {  	_ =	shalt  }
0x5f: {  	_ =	shalt  }
0x60: {  	_ =	shalt  }
0x61: {  	_ =	shalt  }
0x62: {  	_ =	shalt  }
0x63: {  	_ =	shalt  }
0x64: {  	_ =	shalt  }
0x65: {  	_ =	shalt  }
0x66: {  	_ =	shalt  }
0x67: {  	_ =	shalt  }
0x68: {  	_ =	shalt  }
0x69: {  	_ =	shalt  }
0x6a: {  	_ =	shalt  }
0x6b: {  	_ =	shalt  }
0x6c: {  	_ =	shalt  }
0x6d: {  	_ =	shalt  }
0x6e: {  	_ =	shalt  }
0x6f: {  	_ =	shalt  }
0x70: {  	_ =	shalt  }
0x71: {  	_ =	shalt  }
0x72: {  	_ =	shalt  }
0x73: {  	_ =	shalt  }
0x74: {  	_ =	shalt  }
0x75: {  	_ =	shalt  }
0x76: {  	_ =	shalt  }
0x77: {  	_ =	shalt  }
0x78: {  	_ =	shalt  }
0x79: {  	_ =	shalt  }
0x7a: {  	_ =	shalt  }
0x7b: {  	_ =	shalt  }
0x7c: {  	_ =	shalt  }
0x7d: {  	_ =	shalt  }
0x7e: {  	_ =	shalt  }
0x7f: {  	_ =	shalt  }
0x80: {  	_ =	shalt  }
0x81: {  	_ =	shalt  }
0x82: {  	_ =	shalt  }
0x83: {  	_ =	shalt  }
0x84: {  	_ =	shalt  }
0x85: {  	_ =	shalt  }
0x86: {  	_ =	shalt  }
0x87: {  	_ =	shalt  }
.Lfunc_end0:
.L_simem_size_0:
called_computation_lowered:
.L_overlay_start_0:
0x88: {  	s2 =	sld [smem:$0x3FD9]  }
0x89: {  	s3 =	sld [smem:$0x3FFE];
	_ =	sdelay $0x1  }
0x8a: {  	s1 =	srdreg.scid  }
0x8b: {  	s0 =	sand.u32 $0x1, s1  }
0x8c: {  	s17 =	sshll.u32 s0, $0xA;
	s2 =	sadd.s32 s3, s2  }
0x8d: {  	s2 =	sadd.s32 s2, s17  }
0x8e: {  	[smem:$0x3FC0] =	sst s2  }
0x8f: {  	_ = 	snop  }
0x90: {  	s2 =	sld [smem:$0x3FD0];
	(tm) =	ssettm $0x1  }
0x91: {  	s18 =	sld [smem:$0x3FFB];
	_ =	sdelay $0x3  }
0x92: {  	_ =	strace s18  }
0x93: {  	s3 =	sld [smem:$0x3FFC];
	_ =	sdelay $0x3  }
0x94: {  	_ =	strace s3  }
0x95: {  	s3 =	sld [smem:$0x3FFD];
	_ =	sdelay $0x3  }
0x96: {  	_ =	strace s3  }
0x97: {  	_ =	strace $0x8FFFFFFF  }
0x98: {  	s19 =	sld [smem:$0x3FDB];
	_ =	sdelay $0x1  }
0x99: {  	s4 =	simm.s32 $_scs_section_size  }
0x9a: {  	s5 =	simm.s32 $_size__tile_overlayer_lowered;
	s6 =	simm.s32 $_tile_overlayer_lowered  }
0x9b: {  	s22 =	simm.s32 $0x1BFF;
	s21 =	sshll.u32 s6, $0x1;
	s3 =	sadd.s32 s4, s19  }
0x9c: {  	s7 =	simm.s32 $0x0;
	s20 =	sshll.u32 s5, $0x1;
	s5 =	sadd.s32 s21, s3  }
0x9d: {  	[timem:s7], [sflag:s22] =	dma.local [hbm:s5], s20  }
0x9e: {  	_ =	swait.ge [sflag:s22], s20  }
0x9f: {  	s4 =	ssub.s32 $0x0, s20;
	[sflag:s22] =	ssyncset.done $0x0  }
0xa0: {  	[sflag:s22] =	ssyncadd.s32 s4;
	_ =	sdelay $0x1  }
0xa1: {  	s23 =	simm.s32 $0x1B8B  }
0xa2: {  	_ =	swait.ge [sflag:s23], $0x1  }
0xa3: {  	[sflag:s23] =	ssyncset.done $0x0  }
0xa4: {  	s25 =	simm.s32 $0x1B8E;
	s24 =	sld [smem:$0x3FFE];
	[sflag:s23] =	ssyncadd.s32 $0xFFFFFFFF  }
0xa5: {  	s26 =	simm.s32 $execute0_lowered;
	[smem:$0x3FD2] =	sst s25  }
0xa6: {  	s5 =	sshll.u32 s26, $0x1;
	_ =	strace $0x80000046;
	[dreg:$0x1] =	wrdreg $0xFFFFFFFF  }
0xa7: {  	s28 =	simm.s32 $_size_execute0_lowered;
	s3 =	sadd.s32 s3, s5;
	[dreg:$0x0] =	wrdreg $0x0  }
0xa8: {  	s5 =	sshll.u32 s28, $0x1;
	[dreg:$0x2] =	wrdreg s3  }
0xa9: {  	[dreg:$0x3] =	wrdreg s5  }
0xaa: {  	[dreg:$0x4] =	wrdreg $0xC0  }
0xab: {  	_ =	task [dreg:s7], $0x5FFFF  }
0xac: {  	[dreg:$0x1] =	wrdreg $0xFFFFFFFF  }
0xad: {  	[dreg:$0x0] =	wrdreg $0x60  }
0xae: {  	[dreg:$0x2] =	wrdreg s24  }
0xaf: {  	[dreg:$0x3] =	wrdreg s2  }
0xb0: {  	[dreg:$0x4] =	wrdreg $0x9  }
0xb1: {  	_ =	task.clear_ibuf [dreg:s7], $0x5FFFF;
	_ =	strace $0x90000046  }
0xb2: {  	s29 =	simm.s32 $0x9;
	_ =	strace $0x80000048  }
0xb3: {  	_ =	swait.ge [sflag:s29], $0x1  }
0xb4: {  	[sflag:s29] =	ssyncadd.s32 $0xFFFFFFFF  }
0xb5: {  	_ =	strace $0x90000048  }
0xb6: {  	_ =	sfence  }
0xb7: {  	s30 =	sld [smem:$0x0];
	_ =	sdelay $0x2  }
0xb8: {  	s31 =	sshll.u32 s1, $0xD;
	s1 =	sshrl.u32 s1, $0x2  }
0xb9: {  	s3 =	sand.u32 $0x4000, s31;
	s1 =	sadd.s32 s1, s30  }
0xba: {  	s0 =	sor.u32 s3, s0;
	s1 =	sshll.u32 s1, $0x11  }
0xbb: {  	s0 =	sor.u32 s1, s0  }
0xbc: {  	s0 =	sadd.s32 $0x8F2B, s0  }
0xbd: {  	[sflag:s0] =	ssyncadd.remote.s32 $0x1  }
0xbe: {  	_ =	sfence.sel $0xFFFF  }
0xbf: {  	[dreg:$0x0] =	wrdreg $0xFFFFFFFF;
	(pc) =	sbr.abs _section_cstart, $3  }
0xc0: {  	[dreg:$0x1] =	wrdreg $0xFFFFFFFF  }
0xc1: {  	_ =	task.clear_ibuf [dreg:s7], $0x2FFFF;
	_ =	strace $0x9FFFFFFF  }
0xc2: {  	(tm) =	ssettm $0x7FFFFFFF  }
0xc3: {  	_ =	shalt  }
tec
execute0_lowered:
.L_overlay_start_1:
0x0: {  	(tag) =	ssettag $0x1  }
0x1: {  	s3 =	rddreg [dreg:$0x0]  }
0x2: {  	s1 =	srdreg.scid;
	s0 =	stileid.u32  }
0x3: {  	s4 =	rddreg [dreg:$0x1];
	s9 =	simm.s32 $0x400;
	s10 =	simm.s32 $0x0  }
0x4: {  	s5 =	sand.u32 $0x1, s1;
	s2 =	sshll.u32 s0, $0x1;
	s1 =	rddreg [dreg:$0x2]  }
0x5: {  	s7 =	sshrl.u32 s0, $0x2;
	s6 =	sor.u32 s5, s2;
	s2 =	simm.s32 $0x0  }
0x6: {  	s7 =	smul.u32 $0x13C00, s7;
	s5 =	ssub.s32 $0x2, s5;
	s8 =	sshll.u32 s6, $0x7  }
0x7: {  	[smem:$0x7FF] =	sst s2;
	s6 =	smul.u32 $0xA00, s6;
	s31 =	sshrl.u32 s5, $0x1  }
0x8: {  	s8 =	sand.u32 $0x380, s8;
	_ =	strace $0x80000047;
	s5 =	ssub.s32 s5, s31  }
0x9: {  	s7 =	sor.u32 s7, s8;
	s3 =	sadd.s32 s6, s3;
	s5 =	smax.u32 s5, $0x1  }
0xa: {  	s6 =	simm.s32 $0x1;
	s8 =	simm.s32 $0x80;
	s7 =	sshrl.u32 s7, $0x3  }
0xb: {  	v0 =	vimm.f32 $0.0e+00;
	v1 =	vimm.f32 $1.000000000e+00;
	s3 =	sadd.s32 $0x2600, s3;
	s4 =	sadd.s32 s4, s7;
	s7 =	simm.s32 $0x5000  }
.LBB2_1:
0xc: {  	[tilespmem:s2], [sflag:$0x1] =	stream.linear.gather [hbm4b:s3+s2], $0x5000, $0x38;
	[tilespmem:$0x7780] =	vst v63  }
0xd: {  	_ =	swait.ge [sflag:s6], $0x5000  }
0xe: {  	[sflag:s6] =	ssyncset.done $0x0  }
0xf: {  	s13 =	simm.s32 $0x5020;
	[sflag:s6] =	ssyncadd.s32 $0xFFFFB000  }
0x10: {  	[tilespmem:s13+$0xFFFFFFE0] =	vst v0  }
0x11: {  	[tilespmem:s13+$0x10] =	vst v0  }
0x12: {  	s11 =	simm.s32 $0xFFFFFFFC;
	s14 =	simm.s32 $0x0;
	[tilespmem:s13+$0x0] =	vst v0  }
.LBB2_2:
0x13: {  	s14 =	sadd.s32 $0x4, s14  }
0x14: {  	[tilespmem:s13+$0xFFFFFFF0] =	vst v0;
	s13 =	sadd.s32 $0x40, s13;
	s12 =	simm.s32 $0x20;
	p0 =	slt.u32 s14, $0x274  }
.Ltmp0:
0x15: {  	[tilespmem:s13+$0xFFFFFFE0] =	vst v0;
	(pc) =	sbr.rel @p0 .LBB2_2-.Ltmp0, $3  }
0x16: {  	_ =	sdelay $0x1  }
0x17: {  	[tilespmem:s13+$0x10] =	vst v0  }
0x18: {  	[tilespmem:s13+$0x0] =	vst v0  }
0x19: {  	[tilespmem:s13+$0xFFFFFFF0] =	vst v0  }
.LBB2_4:
0x1a: {  	v2 =	vld [tilespmem:s12+$0xFFFFFFE0];
	_ =	sdelay $0x7  }
0x1b: {  	[tilespmem:v2+s7+$0x0] =	vst.idx.add.f32.msk $0xffff, v1  }
0x1c: {  	v2 =	vld [tilespmem:s12+$0xFFFFFFF0];
	_ =	sdelay $0x7  }
0x1d: {  	[tilespmem:v2+s7+$0x0] =	vst.idx.add.f32.msk $0xffff, v1  }
0x1e: {  	v2 =	vld [tilespmem:s12+$0x0];
	_ =	sdelay $0x7  }
0x1f: {  	[tilespmem:v2+s7+$0x0] =	vst.idx.add.f32.msk $0xffff, v1  }
0x20: {  	v2 =	vld [tilespmem:s12+$0x10];
	_ =	sdelay $0x1  }
0x21: {  	s11 =	sadd.s32 $0x4, s11  }
0x22: {  	p0 =	slt.u32 s11, $0x27C  }
.Ltmp1:
0x23: {  	_ = 	snop;
	(pc) =	sbr.rel @p0 .LBB2_4-.Ltmp1, $2  }
0x24: {  	_ =	sdelay $0x2  }
0x25: {  	s12 =	sadd.s32 $0x80, s12;
	[tilespmem:v2+s7+$0x0] =	vst.idx.add.f32.msk $0xffff, v1  }
0x26: {  	s10 =	sadd.s32 $0x1, s10  }
0x27: {  	p0 =	sne.s32 s10, s5  }
.Ltmp2:
0x28: {  	_ = 	snop;
	(pc) =	sbr.rel @p0 .LBB2_1-.Ltmp2, $4  }
0x29: {  	[hbm4b:s4+s8] =	stream.strided.scatter [tilespmem:s7], [sflag:$0x1], $0x2780, s9, s8, $0x38;
	[tilespmem:$0x7780] =	vst v63  }
0x2a: {  	_ =	swait.ge [sflag:s6], $0x2780  }
0x2b: {  	[sflag:s6] =	ssyncset.done $0x0  }
0x2c: {  	[sflag:s6] =	ssyncadd.s32 $0xFFFFD880  }
0x2d: {  	_ =	sfence.sel $0x180000  }
0x2e: {  	[bflag:$0x0] =	sbarrier.arrive $0xFFFF  }
0x2f: {  	p0 =	sne.s32 s0, $0x0;
	_ =	strace $0x90000047  }
0x30: {  	s0 =	sadd.s32 @!p0 $0x100000, s1;
	[bflag:$0x2] =	sbarrier.arrive $0xFFFF  }
0x31: {  	[sflag:s0] =	ssyncadd.tile.s32 @!p0 $0x1;
	_ =	shalt  }
.Lfunc_end2:
_tile_overlayer_lowered:
.L_overlay_start_2:
0x32: {  	(tag) =	ssettag $0x2  }
0x33: {  	s0 =	rddreg [dreg:$0x0];
	s2 =	stileid.u32  }
0x34: {  	s1 =	rddreg [dreg:$0x1];
	p0 =	sne.s32 s2, $0x0  }
0x35: {  	s3 =	rddreg [dreg:$0x2];
	[bflag:$0x3] =	sbarrier.arrive $0xFFFF;
	s2 =	simm.s32 @!p0 $0x1C01  }
0x36: {  	[timem:s3], [sflag:s2] =	dma.local @!p0 [hbm:s0], s1  }
0x37: {  	s0 =	simm.s32 @!p0 $0x1  }
0x38: {  	_ =	swait.ge @!p0 [sflag:s0], s1  }
0x39: {  	s1 =	ssub.s32 @!p0 $0x0, s1;
	[sflag:s0] =	ssyncset.done @!p0 $0x0  }
0x3a: {  	[sflag:s0] =	ssyncadd.s32 @!p0 s1  }
0x3b: {  	[bflag:$0x3] =	sbarrier.arrive $0xFFFF  }
0x3c: {  	_ =	shalt  }

</sc_bundles>
